<compile_context>
chip_gen: v7x
topology: tpu7x:2x2x1
jax: 0.10.2.dev20260603
libtpu: 0.0.44.dev20260713+nightly
codegen_flags: <defaults>
</compile_context>

<pallas_src>
import functools

import jax
import jax.numpy as jnp
from jax import lax
from jax.experimental import pallas as pl
from jax.experimental.pallas import tpu as pltpu
from jax.experimental.pallas import tpu_sc as plsc

EMBED = 32
NFEAT = 26
SLOTS = 50
TOKENS_PER_ROW = NFEAT * SLOTS
BATCH = 4096
ROWS_PER_W = BATCH // 32


def _sc_pool_body(tok_hbm, table_hbm, zdummy_hbm, out_hbm, idx0, idx1,
                  rows0, rows1, pool_v, sem0, sem1, semi):
  nc = 2
  wid = lax.axis_index("s") * nc + lax.axis_index("c")
  base = wid * ROWS_PER_W

  zero16 = jnp.zeros((16,), jnp.float32)

  def stage(r, idx_v):
    pltpu.async_copy(tok_hbm.at[base + r], idx_v, semi)

  def drain_idx(idx_v):
    pltpu.make_async_copy(zdummy_hbm, idx_v, semi).wait()

  def fire(idx_v, rows_v, sem):
    def feat_body(f, _):
      pltpu.async_copy(table_hbm.at[idx_v.at[f]],
                       rows_v.at[pl.ds(f * SLOTS, SLOTS)], sem)
      return 0

    lax.fori_loop(0, NFEAT, feat_body, 0)

  def drain_rows(rows_v, sem):
    pltpu.make_async_copy(out_hbm.at[pl.ds(0, TOKENS_PER_ROW)], rows_v,
                          sem).wait()

  def accum(r, rows_v):
    def tok_body(t, carry):
      a0, a1 = carry
      a0 = a0 + rows_v[t, pl.ds(0, 16)]
      a1 = a1 + rows_v[t, pl.ds(16, 16)]
      return (a0, a1)

    a0, a1 = lax.fori_loop(0, TOKENS_PER_ROW, tok_body, (zero16, zero16),
                           unroll=10)
    pool_v[r, pl.ds(0, 16)] = a0
    pool_v[r, pl.ds(16, 16)] = a1

  stage(0, idx0)
  drain_idx(idx0)
  fire(idx0, rows0, sem0)
  stage(1, idx1)

  def pair_body(g, _):
    rn2 = jnp.minimum(2 * g + 2, ROWS_PER_W - 1)
    rn3 = jnp.minimum(2 * g + 3, ROWS_PER_W - 1)

    drain_idx(idx1)
    fire(idx1, rows1, sem1)

    drain_rows(rows0, sem0)
    stage(rn2, idx0)
    accum(2 * g, rows0)

    drain_idx(idx0)
    fire(idx0, rows0, sem0)

    drain_rows(rows1, sem1)
    stage(rn3, idx1)
    accum(2 * g + 1, rows1)
    return 0

  lax.fori_loop(0, ROWS_PER_W // 2, pair_body, 0)
  drain_idx(idx1)
  drain_rows(rows0, sem0)
  pltpu.sync_copy(pool_v, out_hbm.at[pl.ds(base, ROWS_PER_W)])


_sc_pool = functools.partial(
    pl.kernel,
    out_type=jax.ShapeDtypeStruct((BATCH, EMBED), jnp.float32),
    mesh=plsc.VectorSubcoreMesh(core_axis_name="c", subcore_axis_name="s"),
    compiler_params=pltpu.CompilerParams(use_tc_tiling_on_sc=False),
    scratch_types=[
        pltpu.VMEM((NFEAT, SLOTS), jnp.int32),
        pltpu.VMEM((NFEAT, SLOTS), jnp.int32),
        pltpu.VMEM((TOKENS_PER_ROW, EMBED), jnp.float32),
        pltpu.VMEM((TOKENS_PER_ROW, EMBED), jnp.float32),
        pltpu.VMEM((ROWS_PER_W, EMBED), jnp.float32),
        pltpu.SemaphoreType.DMA,
        pltpu.SemaphoreType.DMA,
        pltpu.SemaphoreType.DMA,
    ],
)(_sc_pool_body)


def _mlp_body(s_ref, w1_ref, b1_ref, w2_ref, b2_ref, o_ref):
  x = s_ref[...] * (1.0 / TOKENS_PER_ROW)
  h = lax.dot_general(x, w1_ref[...], (((1,), (1,)), ((), ())),
                      preferred_element_type=jnp.float32)
  h = jnp.maximum(h + b1_ref[...], 0.0)
  o_ref[...] = jnp.sum(h * w2_ref[...], axis=1, keepdims=True) + b2_ref[...]


def _tc_mlp(sums, w1, b1, w2, b2):
  return pl.pallas_call(
      _mlp_body,
      out_shape=jax.ShapeDtypeStruct((BATCH, 1), jnp.float32),
  )(sums, w1, b1.reshape(1, EMBED), w2, b2.reshape(1, 1))


@jax.jit
def kernel(tokens, table, W1, b1, W2, b2):
  tok = tokens.astype(jnp.int32)
  zdummy = jnp.zeros((NFEAT, SLOTS), jnp.int32)
  sums = _sc_pool(tok, table, zdummy)
  out = _tc_mlp(sums, W1, b1, W2, b2)
  return out.reshape(BATCH)

# --- scband reference (transcript-rebuilt; emitter-appended) ---
"""Pipeline reference for scband-token-baseline-classifier-5394478923797 (READ-ONLY COPY).

The authoritative reference and input builder live on the scoring server;
editing this copy changes nothing except your own understanding.
"""

import jax, jax.numpy as jnp
import numpy as np

VOCAB = 1000000
EMBED = 32

def setup_inputs(seed: int = 0) -> dict:
    key = jax.random.key(seed)
    k_tok, k_emb, k_w1, k_b1, k_w2, k_b2 = jax.random.split(key, 6)
    tokens = jax.random.randint(k_tok, (4096, 26, 50), 0, VOCAB, dtype=jnp.int64)
    table = jax.random.normal(k_emb, (VOCAB, EMBED), dtype=jnp.float32)
    W1 = jax.random.normal(k_w1, (EMBED, EMBED), dtype=jnp.float32) * 0.05
    b1 = jax.random.normal(k_b1, (EMBED,), dtype=jnp.float32) * 0.05
    W2 = jax.random.normal(k_w2, (1, EMBED), dtype=jnp.float32) * 0.05
    b2 = jax.random.normal(k_b2, (1,), dtype=jnp.float32) * 0.05
    return {"tokens": tokens, "table": table, "W1": W1, "b1": b1, "W2": W2, "b2": b2}

def reference(tokens, table, W1, b1, W2, b2):
    # embedding lookup: [B, F, L, E]
    embedded = jnp.take(table, tokens, axis=0)
    # mean over dims (1, 2): [B, E]
    pooled = embedded.mean(axis=(1, 2))
    # head: Linear -> ReLU -> Linear -> squeeze(-1)
    h = jax.nn.relu(pooled @ W1.T + b1)
    out = (h @ W2.T + b2).squeeze(-1)
    return out

if __name__ == "__main__":
    import jax
    _d = setup_inputs()
    print(jax.jit(kernel)(*tuple(_d.values())))

</pallas_src>

<mosaic_0001>
#map = affine_map<(d0, d1) -> (0, 0, 0)>
#map1 = affine_map<(d0, d1) -> (0, 0)>
module attributes {stable_mosaic.version = 14 : i64} {
  func.func @_sc_pool_body(%arg0: i32, %arg1: i32, %arg2: memref<4096x26x50xi32, #tpu.memory_space<hbm>>, %arg3: memref<1000000x32xf32, #tpu.memory_space<hbm>>, %arg4: memref<26x50xi32, #tpu.memory_space<hbm>>, %arg5: memref<4096x32xf32, #tpu.memory_space<hbm>>, %arg6: memref<26x50xi32, #tpu.memory_space<vmem>>, %arg7: memref<26x50xi32, #tpu.memory_space<vmem>>, %arg8: memref<1300x32xf32, #tpu.memory_space<vmem>>, %arg9: memref<1300x32xf32, #tpu.memory_space<vmem>>, %arg10: memref<128x32xf32, #tpu.memory_space<vmem>>, %arg11: memref<!tpu.dma_semaphore, #tpu.memory_space<semaphore_mem>>, %arg12: memref<!tpu.dma_semaphore, #tpu.memory_space<semaphore_mem>>, %arg13: memref<!tpu.dma_semaphore, #tpu.memory_space<semaphore_mem>>) attributes {dimension_semantics = [#tpu.dimension_semantics<core_parallel>, #tpu.dimension_semantics<subcore_parallel>], iteration_bounds = array<i64: 2, 16>, scalar_prefetch = 0 : i64, scratch_operands = 8 : i64, tpu.core_type = #tpu.core_type<sc_vector_subcore>, window_params = [{transform_indices = #map}, {transform_indices = #map1}, {transform_indices = #map1}, {transform_indices = #map1}]} {
    %mul3A = arith.constant 2 : i32
    %mul3A_0 = arith.muli %arg1, %mul3A : i32
    %add3A = arith.addi %mul3A_0, %arg0 : i32
    %mul3A_1 = arith.constant 128 : i32
    %mul3A_2 = arith.muli %add3A, %mul3A_1 : i32
    %broadcast_in_dim3A = arith.constant 0.000000e+00 : f32
    %broadcast_in_dim3A_3 = vector.broadcast %broadcast_in_dim3A : f32 to vector<16xf32>
    %add3A_4 = arith.constant 0 : i32
    %add3A_5 = arith.addi %mul3A_2, %add3A_4 : i32
    %dma_start3A = arith.constant 0 : i32
    %dma_start3A_6 = arith.constant 0 : i32
    %dma_start3A_7 = tpu.memref_slice %arg2[%add3A_5, %dma_start3A, %dma_start3A_6] : memref<4096x26x50xi32, #tpu.memory_space<hbm>> -> memref<1x26x50xi32, #tpu.memory_space<hbm>>
    %dma_start3A_8 = tpu.memref_squeeze %dma_start3A_7 : memref<1x26x50xi32, #tpu.memory_space<hbm>> -> memref<26x50xi32, #tpu.memory_space<hbm>>
    %dma_start3A_9 = arith.constant 0 : i32
    %dma_start3A_10 = arith.constant 0 : i32
    %dma_start3A_11 = tpu.memref_slice %arg2[%add3A_5, %dma_start3A_9, %dma_start3A_10] : memref<4096x26x50xi32, #tpu.memory_space<hbm>> -> memref<1x26x50xi32, #tpu.memory_space<hbm>>
    %dma_start3A_12 = tpu.memref_squeeze %dma_start3A_11 : memref<1x26x50xi32, #tpu.memory_space<hbm>> -> memref<26x50xi32, #tpu.memory_space<hbm>>
    tpu.enqueue_dma source(%dma_start3A_12 : memref<26x50xi32, #tpu.memory_space<hbm>>) target(%arg6 : memref<26x50xi32, #tpu.memory_space<vmem>>) target_semaphore(%arg13 : memref<!tpu.dma_semaphore, #tpu.memory_space<semaphore_mem>>)
    tpu.wait_dma2 semaphore(%arg13 : memref<!tpu.dma_semaphore, #tpu.memory_space<semaphore_mem>>) src(%arg4 : memref<26x50xi32, #tpu.memory_space<hbm>>) dst(%arg6 : memref<26x50xi32, #tpu.memory_space<vmem>>)
    %scan3A = arith.constant 0 : i32
    %scan3A_13 = arith.constant 0 : i32
    %scan3A_14 = arith.constant 26 : i32
    %scan3A_15 = arith.addi %scan3A_13, %scan3A_14 : i32
    %scan3A_16 = arith.constant 1 : i32
    %scan3A_17 = scf.for %scan3A_41 = %scan3A_13 to %scan3A_15 step %scan3A_16 iter_args(%scan3A_42 = %scan3A) -> (i32)  : i32 {
      %mul3A_43 = arith.constant 50 : i32
      %mul3A_44 = arith.muli %scan3A_41, %mul3A_43 : i32
      %dma_start3A_45 = arith.constant 0 : i32
      %dma_start3A_46 = tpu.memref_slice %arg8[%mul3A_44, %dma_start3A_45] : memref<1300x32xf32, #tpu.memory_space<vmem>> -> memref<50x32xf32, #tpu.memory_space<vmem>>
      %dma_start3A_47 = arith.constant 0 : i32
      %dma_start3A_48 = tpu.memref_slice %arg6[%scan3A_41, %dma_start3A_47] : memref<26x50xi32, #tpu.memory_space<vmem>> -> memref<1x50xi32, #tpu.memory_space<vmem>>
      %dma_start3A_49 = tpu.memref_squeeze %dma_start3A_48 : memref<1x50xi32, #tpu.memory_space<vmem>> -> memref<50xi32, #tpu.memory_space<vmem>>
      %dma_start3A_50 = arith.constant 0 : i32
      %dma_start3A_51 = arith.constant 0 : i32
      %dma_start3A_52 = tpu.memref_slice %arg3[%dma_start3A_50, %dma_start3A_51] : memref<1000000x32xf32, #tpu.memory_space<hbm>> -> memref<1000000x32xf32, #tpu.memory_space<hbm>>
      tpu.enqueue_indirect_dma source(%dma_start3A_52 : memref<1000000x32xf32, #tpu.memory_space<hbm>>) target(%dma_start3A_46 : memref<50x32xf32, #tpu.memory_space<vmem>>) offsets(%dma_start3A_49 : memref<50xi32, #tpu.memory_space<vmem>>) semaphore(%arg11 : memref<!tpu.dma_semaphore, #tpu.memory_space<semaphore_mem>>)
      %scan3A_53 = arith.constant 0 : i32
      scf.yield %scan3A_53 : i32
    }
    %scan3A_18 = arith.constant 26 : i32
    %add3A_19 = arith.constant 1 : i32
    %add3A_20 = arith.addi %mul3A_2, %add3A_19 : i32
    %dma_start3A_21 = arith.constant 0 : i32
    %dma_start3A_22 = arith.constant 0 : i32
    %dma_start3A_23 = tpu.memref_slice %arg2[%add3A_20, %dma_start3A_21, %dma_start3A_22] : memref<4096x26x50xi32, #tpu.memory_space<hbm>> -> memref<1x26x50xi32, #tpu.memory_space<hbm>>
    %dma_start3A_24 = tpu.memref_squeeze %dma_start3A_23 : memref<1x26x50xi32, #tpu.memory_space<hbm>> -> memref<26x50xi32, #tpu.memory_space<hbm>>
    %dma_start3A_25 = arith.constant 0 : i32
    %dma_start3A_26 = arith.constant 0 : i32
    %dma_start3A_27 = tpu.memref_slice %arg2[%add3A_20, %dma_start3A_25, %dma_start3A_26] : memref<4096x26x50xi32, #tpu.memory_space<hbm>> -> memref<1x26x50xi32, #tpu.memory_space<hbm>>
    %dma_start3A_28 = tpu.memref_squeeze %dma_start3A_27 : memref<1x26x50xi32, #tpu.memory_space<hbm>> -> memref<26x50xi32, #tpu.memory_space<hbm>>
    tpu.enqueue_dma source(%dma_start3A_28 : memref<26x50xi32, #tpu.memory_space<hbm>>) target(%arg7 : memref<26x50xi32, #tpu.memory_space<vmem>>) target_semaphore(%arg13 : memref<!tpu.dma_semaphore, #tpu.memory_space<semaphore_mem>>)
    %scan3A_29 = arith.constant 0 : i32
    %scan3A_30 = arith.constant 0 : i32
    %scan3A_31 = arith.constant 64 : i32
    %scan3A_32 = arith.addi %scan3A_30, %scan3A_31 : i32
    %scan3A_33 = arith.constant 1 : i32
    %scan3A_34 = scf.for %scan3A_41 = %scan3A_30 to %scan3A_32 step %scan3A_33 iter_args(%scan3A_42 = %scan3A_29) -> (i32)  : i32 {
      %mul3A_43 = arith.constant 2 : i32
      %mul3A_44 = arith.muli %mul3A_43, %scan3A_41 : i32
      %add3A_45 = arith.constant 2 : i32
      %add3A_46 = arith.addi %mul3A_44, %add3A_45 : i32
      %min3A = arith.constant 127 : i32
      %min3A_47 = arith.minsi %add3A_46, %min3A : i32
      %mul3A_48 = arith.constant 2 : i32
      %mul3A_49 = arith.muli %mul3A_48, %scan3A_41 : i32
      %add3A_50 = arith.constant 3 : i32
      %add3A_51 = arith.addi %mul3A_49, %add3A_50 : i32
      %min3A_52 = arith.constant 127 : i32
      %min3A_53 = arith.minsi %add3A_51, %min3A_52 : i32
      tpu.wait_dma2 semaphore(%arg13 : memref<!tpu.dma_semaphore, #tpu.memory_space<semaphore_mem>>) src(%arg4 : memref<26x50xi32, #tpu.memory_space<hbm>>) dst(%arg7 : memref<26x50xi32, #tpu.memory_space<vmem>>)
      %scan3A_54 = arith.constant 0 : i32
      %scan3A_55 = arith.constant 0 : i32
      %scan3A_56 = arith.constant 26 : i32
      %scan3A_57 = arith.addi %scan3A_55, %scan3A_56 : i32
      %scan3A_58 = arith.constant 1 : i32
      %scan3A_59 = scf.for %scan3A_136 = %scan3A_55 to %scan3A_57 step %scan3A_58 iter_args(%scan3A_137 = %scan3A_54) -> (i32)  : i32 {
        %mul3A_138 = arith.constant 50 : i32
        %mul3A_139 = arith.muli %scan3A_136, %mul3A_138 : i32
        %dma_start3A_140 = arith.constant 0 : i32
        %dma_start3A_141 = tpu.memref_slice %arg9[%mul3A_139, %dma_start3A_140] : memref<1300x32xf32, #tpu.memory_space<vmem>> -> memref<50x32xf32, #tpu.memory_space<vmem>>
        %dma_start3A_142 = arith.constant 0 : i32
        %dma_start3A_143 = tpu.memref_slice %arg7[%scan3A_136, %dma_start3A_142] : memref<26x50xi32, #tpu.memory_space<vmem>> -> memref<1x50xi32, #tpu.memory_space<vmem>>
        %dma_start3A_144 = tpu.memref_squeeze %dma_start3A_143 : memref<1x50xi32, #tpu.memory_space<vmem>> -> memref<50xi32, #tpu.memory_space<vmem>>
        %dma_start3A_145 = arith.constant 0 : i32
        %dma_start3A_146 = arith.constant 0 : i32
        %dma_start3A_147 = tpu.memref_slice %arg3[%dma_start3A_145, %dma_start3A_146] : memref<1000000x32xf32, #tpu.memory_space<hbm>> -> memref<1000000x32xf32, #tpu.memory_space<hbm>>
        tpu.enqueue_indirect_dma source(%dma_start3A_147 : memref<1000000x32xf32, #tpu.memory_space<hbm>>) target(%dma_start3A_141 : memref<50x32xf32, #tpu.memory_space<vmem>>) offsets(%dma_start3A_144 : memref<50xi32, #tpu.memory_space<vmem>>) semaphore(%arg12 : memref<!tpu.dma_semaphore, #tpu.memory_space<semaphore_mem>>)
        %scan3A_148 = arith.constant 0 : i32
        scf.yield %scan3A_148 : i32
      }
      %scan3A_60 = arith.constant 26 : i32
      %dma_wait3A_61 = arith.constant 0 : i32
      %dma_wait3A_62 = arith.constant 0 : i32
      %dma_wait3A_63 = tpu.memref_slice %arg5[%dma_wait3A_61, %dma_wait3A_62] : memref<4096x32xf32, #tpu.memory_space<hbm>> -> memref<1300x32xf32, #tpu.memory_space<hbm>>
      %dma_wait3A_64 = arith.constant 0 : i32
      %dma_wait3A_65 = arith.constant 0 : i32
      %dma_wait3A_66 = tpu.memref_slice %arg5[%dma_wait3A_64, %dma_wait3A_65] : memref<4096x32xf32, #tpu.memory_space<hbm>> -> memref<1300x32xf32, #tpu.memory_space<hbm>>
      tpu.wait_dma2 semaphore(%arg11 : memref<!tpu.dma_semaphore, #tpu.memory_space<semaphore_mem>>) src(%dma_wait3A_66 : memref<1300x32xf32, #tpu.memory_space<hbm>>) dst(%arg8 : memref<1300x32xf32, #tpu.memory_space<vmem>>)
      %add3A_67 = arith.addi %mul3A_2, %min3A_47 : i32
      %dma_start3A_68 = arith.constant 0 : i32
      %dma_start3A_69 = arith.constant 0 : i32
      %dma_start3A_70 = tpu.memref_slice %arg2[%add3A_67, %dma_start3A_68, %dma_start3A_69] : memref<4096x26x50xi32, #tpu.memory_space<hbm>> -> memref<1x26x50xi32, #tpu.memory_space<hbm>>
      %dma_start3A_71 = tpu.memref_squeeze %dma_start3A_70 : memref<1x26x50xi32, #tpu.memory_space<hbm>> -> memref<26x50xi32, #tpu.memory_space<hbm>>
      %dma_start3A_72 = arith.constant 0 : i32
      %dma_start3A_73 = arith.constant 0 : i32
      %dma_start3A_74 = tpu.memref_slice %arg2[%add3A_67, %dma_start3A_72, %dma_start3A_73] : memref<4096x26x50xi32, #tpu.memory_space<hbm>> -> memref<1x26x50xi32, #tpu.memory_space<hbm>>
      %dma_start3A_75 = tpu.memref_squeeze %dma_start3A_74 : memref<1x26x50xi32, #tpu.memory_space<hbm>> -> memref<26x50xi32, #tpu.memory_space<hbm>>
      tpu.enqueue_dma source(%dma_start3A_75 : memref<26x50xi32, #tpu.memory_space<hbm>>) target(%arg6 : memref<26x50xi32, #tpu.memory_space<vmem>>) target_semaphore(%arg13 : memref<!tpu.dma_semaphore, #tpu.memory_space<semaphore_mem>>)
      %mul3A_76 = arith.constant 2 : i32
      %mul3A_77 = arith.muli %mul3A_76, %scan3A_41 : i32
      %scan3A_78 = arith.constant 0 : i32
      %scan3A_79 = arith.constant 1300 : i32
      %scan3A_80 = arith.addi %scan3A_78, %scan3A_79 : i32
      %scan3A_81 = arith.constant 10 : i32
      %scan3A_82:2 = scf.for %scan3A_136 = %scan3A_78 to %scan3A_80 step %scan3A_81 iter_args(%scan3A_137 = %broadcast_in_dim3A_3, %scan3A_138 = %broadcast_in_dim3A_3) -> (vector<16xf32>, vector<16xf32>)  : i32 {
        %get3A = arith.index_cast %scan3A_136 : i32 to index
        %get3A_139 = arith.constant 0 : index
        %get3A_140 = tpu.vector_load %arg8[%get3A, %get3A_139] {strides = array<i32>} : memref<1300x32xf32, #tpu.memory_space<vmem>>, vector<1x16xf32>,
        %get3A_141 = vector.shape_cast %get3A_140 : vector<1x16xf32> to vector<16xf32>
        %add3A_142 = arith.addf %scan3A_137, %get3A_141 : vector<16xf32>
        %get3A_143 = arith.index_cast %scan3A_136 : i32 to index
        %get3A_144 = arith.constant 16 : index
        %get3A_145 = tpu.vector_load %arg8[%get3A_143, %get3A_144] {strides = array<i32>} : memref<1300x32xf32, #tpu.memory_space<vmem>>, vector<1x16xf32>,
        %get3A_146 = vector.shape_cast %get3A_145 : vector<1x16xf32> to vector<16xf32>
        %add3A_147 = arith.addf %scan3A_138, %get3A_146 : vector<16xf32>
        %scan3A_148 = arith.constant 1 : i32
        %scan3A_149 = arith.addi %scan3A_136, %scan3A_148 : i32
        %get3A_150 = arith.index_cast %scan3A_149 : i32 to index
        %get3A_151 = arith.constant 0 : index
        %get3A_152 = tpu.vector_load %arg8[%get3A_150, %get3A_151] {strides = array<i32>} : memref<1300x32xf32, #tpu.memory_space<vmem>>, vector<1x16xf32>,
        %get3A_153 = vector.shape_cast %get3A_152 : vector<1x16xf32> to vector<16xf32>
        %add3A_154 = arith.addf %add3A_142, %get3A_153 : vector<16xf32>
        %get3A_155 = arith.index_cast %scan3A_149 : i32 to index
        %get3A_156 = arith.constant 16 : index
        %get3A_157 = tpu.vector_load %arg8[%get3A_155, %get3A_156] {strides = array<i32>} : memref<1300x32xf32, #tpu.memory_space<vmem>>, vector<1x16xf32>,
        %get3A_158 = vector.shape_cast %get3A_157 : vector<1x16xf32> to vector<16xf32>
        %add3A_159 = arith.addf %add3A_147, %get3A_158 : vector<16xf32>
        %scan3A_160 = arith.constant 2 : i32
        %scan3A_161 = arith.addi %scan3A_136, %scan3A_160 : i32
        %get3A_162 = arith.index_cast %scan3A_161 : i32 to index
        %get3A_163 = arith.constant 0 : index
        %get3A_164 = tpu.vector_load %arg8[%get3A_162, %get3A_163] {strides = array<i32>} : memref<1300x32xf32, #tpu.memory_space<vmem>>, vector<1x16xf32>,
        %get3A_165 = vector.shape_cast %get3A_164 : vector<1x16xf32> to vector<16xf32>
        %add3A_166 = arith.addf %add3A_154, %get3A_165 : vector<16xf32>
        %get3A_167 = arith.index_cast %scan3A_161 : i32 to index
        %get3A_168 = arith.constant 16 : index
        %get3A_169 = tpu.vector_load %arg8[%get3A_167, %get3A_168] {strides = array<i32>} : memref<1300x32xf32, #tpu.memory_space<vmem>>, vector<1x16xf32>,
        %get3A_170 = vector.shape_cast %get3A_169 : vector<1x16xf32> to vector<16xf32>
        %add3A_171 = arith.addf %add3A_159, %get3A_170 : vector<16xf32>
        %scan3A_172 = arith.constant 3 : i32
        %scan3A_173 = arith.addi %scan3A_136, %scan3A_172 : i32
        %get3A_174 = arith.index_cast %scan3A_173 : i32 to index
        %get3A_175 = arith.constant 0 : index
        %get3A_176 = tpu.vector_load %arg8[%get3A_174, %get3A_175] {strides = array<i32>} : memref<1300x32xf32, #tpu.memory_space<vmem>>, vector<1x16xf32>,
        %get3A_177 = vector.shape_cast %get3A_176 : vector<1x16xf32> to vector<16xf32>
        %add3A_178 = arith.addf %add3A_166, %get3A_177 : vector<16xf32>
        %get3A_179 = arith.index_cast %scan3A_173 : i32 to index
        %get3A_180 = arith.constant 16 : index
        %get3A_181 = tpu.vector_load %arg8[%get3A_179, %get3A_180] {strides = array<i32>} : memref<1300x32xf32, #tpu.memory_space<vmem>>, vector<1x16xf32>,
        %get3A_182 = vector.shape_cast %get3A_181 : vector<1x16xf32> to vector<16xf32>
        %add3A_183 = arith.addf %add3A_171, %get3A_182 : vector<16xf32>
        %scan3A_184 = arith.constant 4 : i32
        %scan3A_185 = arith.addi %scan3A_136, %scan3A_184 : i32
        %get3A_186 = arith.index_cast %scan3A_185 : i32 to index
        %get3A_187 = arith.constant 0 : index
        %get3A_188 = tpu.vector_load %arg8[%get3A_186, %get3A_187] {strides = array<i32>} : memref<1300x32xf32, #tpu.memory_space<vmem>>, vector<1x16xf32>,
        %get3A_189 = vector.shape_cast %get3A_188 : vector<1x16xf32> to vector<16xf32>
        %add3A_190 = arith.addf %add3A_178, %get3A_189 : vector<16xf32>
        %get3A_191 = arith.index_cast %scan3A_185 : i32 to index
        %get3A_192 = arith.constant 16 : index
        %get3A_193 = tpu.vector_load %arg8[%get3A_191, %get3A_192] {strides = array<i32>} : memref<1300x32xf32, #tpu.memory_space<vmem>>, vector<1x16xf32>,
        %get3A_194 = vector.shape_cast %get3A_193 : vector<1x16xf32> to vector<16xf32>
        %add3A_195 = arith.addf %add3A_183, %get3A_194 : vector<16xf32>
        %scan3A_196 = arith.constant 5 : i32
        %scan3A_197 = arith.addi %scan3A_136, %scan3A_196 : i32
        %get3A_198 = arith.index_cast %scan3A_197 : i32 to index
        %get3A_199 = arith.constant 0 : index
        %get3A_200 = tpu.vector_load %arg8[%get3A_198, %get3A_199] {strides = array<i32>} : memref<1300x32xf32, #tpu.memory_space<vmem>>, vector<1x16xf32>,
        %get3A_201 = vector.shape_cast %get3A_200 : vector<1x16xf32> to vector<16xf32>
        %add3A_202 = arith.addf %add3A_190, %get3A_201 : vector<16xf32>
        %get3A_203 = arith.index_cast %scan3A_197 : i32 to index
        %get3A_204 = arith.constant 16 : index
        %get3A_205 = tpu.vector_load %arg8[%get3A_203, %get3A_204] {strides = array<i32>} : memref<1300x32xf32, #tpu.memory_space<vmem>>, vector<1x16xf32>,
        %get3A_206 = vector.shape_cast %get3A_205 : vector<1x16xf32> to vector<16xf32>
        %add3A_207 = arith.addf %add3A_195, %get3A_206 : vector<16xf32>
        %scan3A_208 = arith.constant 6 : i32
        %scan3A_209 = arith.addi %scan3A_136, %scan3A_208 : i32
        %get3A_210 = arith.index_cast %scan3A_209 : i32 to index
        %get3A_211 = arith.constant 0 : index
        %get3A_212 = tpu.vector_load %arg8[%get3A_210, %get3A_211] {strides = array<i32>} : memref<1300x32xf32, #tpu.memory_space<vmem>>, vector<1x16xf32>,
        %get3A_213 = vector.shape_cast %get3A_212 : vector<1x16xf32> to vector<16xf32>
        %add3A_214 = arith.addf %add3A_202, %get3A_213 : vector<16xf32>
        %get3A_215 = arith.index_cast %scan3A_209 : i32 to index
        %get3A_216 = arith.constant 16 : index
        %get3A_217 = tpu.vector_load %arg8[%get3A_215, %get3A_216] {strides = array<i32>} : memref<1300x32xf32, #tpu.memory_space<vmem>>, vector<1x16xf32>,
        %get3A_218 = vector.shape_cast %get3A_217 : vector<1x16xf32> to vector<16xf32>
        %add3A_219 = arith.addf %add3A_207, %get3A_218 : vector<16xf32>
        %scan3A_220 = arith.constant 7 : i32
        %scan3A_221 = arith.addi %scan3A_136, %scan3A_220 : i32
        %get3A_222 = arith.index_cast %scan3A_221 : i32 to index
        %get3A_223 = arith.constant 0 : index
        %get3A_224 = tpu.vector_load %arg8[%get3A_222, %get3A_223] {strides = array<i32>} : memref<1300x32xf32, #tpu.memory_space<vmem>>, vector<1x16xf32>,
        %get3A_225 = vector.shape_cast %get3A_224 : vector<1x16xf32> to vector<16xf32>
        %add3A_226 = arith.addf %add3A_214, %get3A_225 : vector<16xf32>
        %get3A_227 = arith.index_cast %scan3A_221 : i32 to index
        %get3A_228 = arith.constant 16 : index
        %get3A_229 = tpu.vector_load %arg8[%get3A_227, %get3A_228] {strides = array<i32>} : memref<1300x32xf32, #tpu.memory_space<vmem>>, vector<1x16xf32>,
        %get3A_230 = vector.shape_cast %get3A_229 : vector<1x16xf32> to vector<16xf32>
        %add3A_231 = arith.addf %add3A_219, %get3A_230 : vector<16xf32>
        %scan3A_232 = arith.constant 8 : i32
        %scan3A_233 = arith.addi %scan3A_136, %scan3A_232 : i32
        %get3A_234 = arith.index_cast %scan3A_233 : i32 to index
        %get3A_235 = arith.constant 0 : index
        %get3A_236 = tpu.vector_load %arg8[%get3A_234, %get3A_235] {strides = array<i32>} : memref<1300x32xf32, #tpu.memory_space<vmem>>, vector<1x16xf32>,
        %get3A_237 = vector.shape_cast %get3A_236 : vector<1x16xf32> to vector<16xf32>
        %add3A_238 = arith.addf %add3A_226, %get3A_237 : vector<16xf32>
        %get3A_239 = arith.index_cast %scan3A_233 : i32 to index
        %get3A_240 = arith.constant 16 : index
        %get3A_241 = tpu.vector_load %arg8[%get3A_239, %get3A_240] {strides = array<i32>} : memref<1300x32xf32, #tpu.memory_space<vmem>>, vector<1x16xf32>,
        %get3A_242 = vector.shape_cast %get3A_241 : vector<1x16xf32> to vector<16xf32>
        %add3A_243 = arith.addf %add3A_231, %get3A_242 : vector<16xf32>
        %scan3A_244 = arith.constant 9 : i32
        %scan3A_245 = arith.addi %scan3A_136, %scan3A_244 : i32
        %get3A_246 = arith.index_cast %scan3A_245 : i32 to index
        %get3A_247 = arith.constant 0 : index
        %get3A_248 = tpu.vector_load %arg8[%get3A_246, %get3A_247] {strides = array<i32>} : memref<1300x32xf32, #tpu.memory_space<vmem>>, vector<1x16xf32>,
        %get3A_249 = vector.shape_cast %get3A_248 : vector<1x16xf32> to vector<16xf32>
        %add3A_250 = arith.addf %add3A_238, %get3A_249 : vector<16xf32>
        %get3A_251 = arith.index_cast %scan3A_245 : i32 to index
        %get3A_252 = arith.constant 16 : index
        %get3A_253 = tpu.vector_load %arg8[%get3A_251, %get3A_252] {strides = array<i32>} : memref<1300x32xf32, #tpu.memory_space<vmem>>, vector<1x16xf32>,
        %get3A_254 = vector.shape_cast %get3A_253 : vector<1x16xf32> to vector<16xf32>
        %add3A_255 = arith.addf %add3A_243, %get3A_254 : vector<16xf32>
        scf.yield %add3A_250, %add3A_255 : vector<16xf32>, vector<16xf32>
      }
      %scan3A_83 = arith.constant 1300 : i32
      %swap3A = arith.index_cast %mul3A_77 : i32 to index
      %swap3A_84 = arith.constant 0 : index
      %swap3A_85 = tpu.vector_load %arg10[%swap3A, %swap3A_84] {strides = array<i32>} : memref<128x32xf32, #tpu.memory_space<vmem>>, vector<1x16xf32>,
      %swap3A_86 = vector.shape_cast %swap3A_85 : vector<1x16xf32> to vector<16xf32>
      %swap3A_87 = vector.shape_cast %scan3A_82#0 : vector<16xf32> to vector<1x16xf32>
      tpu.vector_store %arg10[%swap3A, %swap3A_84], %swap3A_87 {strides = array<i32>} : memref<128x32xf32, #tpu.memory_space<vmem>>, vector<1x16xf32>,
      %swap3A_88 = arith.index_cast %mul3A_77 : i32 to index
      %swap3A_89 = arith.constant 16 : index
      %swap3A_90 = tpu.vector_load %arg10[%swap3A_88, %swap3A_89] {strides = array<i32>} : memref<128x32xf32, #tpu.memory_space<vmem>>, vector<1x16xf32>,
      %swap3A_91 = vector.shape_cast %swap3A_90 : vector<1x16xf32> to vector<16xf32>
      %swap3A_92 = vector.shape_cast %scan3A_82#1 : vector<16xf32> to vector<1x16xf32>
      tpu.vector_store %arg10[%swap3A_88, %swap3A_89], %swap3A_92 {strides = array<i32>} : memref<128x32xf32, #tpu.memory_space<vmem>>, vector<1x16xf32>,
      tpu.wait_dma2 semaphore(%arg13 : memref<!tpu.dma_semaphore, #tpu.memory_space<semaphore_mem>>) src(%arg4 : memref<26x50xi32, #tpu.memory_space<hbm>>) dst(%arg6 : memref<26x50xi32, #tpu.memory_space<vmem>>)
      %scan3A_93 = arith.constant 0 : i32
      %scan3A_94 = arith.constant 0 : i32
      %scan3A_95 = arith.constant 26 : i32
      %scan3A_96 = arith.addi %scan3A_94, %scan3A_95 : i32
      %scan3A_97 = arith.constant 1 : i32
      %scan3A_98 = scf.for %scan3A_136 = %scan3A_94 to %scan3A_96 step %scan3A_97 iter_args(%scan3A_137 = %scan3A_93) -> (i32)  : i32 {
        %mul3A_138 = arith.constant 50 : i32
        %mul3A_139 = arith.muli %scan3A_136, %mul3A_138 : i32
        %dma_start3A_140 = arith.constant 0 : i32
        %dma_start3A_141 = tpu.memref_slice %arg8[%mul3A_139, %dma_start3A_140] : memref<1300x32xf32, #tpu.memory_space<vmem>> -> memref<50x32xf32, #tpu.memory_space<vmem>>
        %dma_start3A_142 = arith.constant 0 : i32
        %dma_start3A_143 = tpu.memref_slice %arg6[%scan3A_136, %dma_start3A_142] : memref<26x50xi32, #tpu.memory_space<vmem>> -> memref<1x50xi32, #tpu.memory_space<vmem>>
        %dma_start3A_144 = tpu.memref_squeeze %dma_start3A_143 : memref<1x50xi32, #tpu.memory_space<vmem>> -> memref<50xi32, #tpu.memory_space<vmem>>
        %dma_start3A_145 = arith.constant 0 : i32
        %dma_start3A_146 = arith.constant 0 : i32
        %dma_start3A_147 = tpu.memref_slice %arg3[%dma_start3A_145, %dma_start3A_146] : memref<1000000x32xf32, #tpu.memory_space<hbm>> -> memref<1000000x32xf32, #tpu.memory_space<hbm>>
        tpu.enqueue_indirect_dma source(%dma_start3A_147 : memref<1000000x32xf32, #tpu.memory_space<hbm>>) target(%dma_start3A_141 : memref<50x32xf32, #tpu.memory_space<vmem>>) offsets(%dma_start3A_144 : memref<50xi32, #tpu.memory_space<vmem>>) semaphore(%arg11 : memref<!tpu.dma_semaphore, #tpu.memory_space<semaphore_mem>>)
        %scan3A_148 = arith.constant 0 : i32
        scf.yield %scan3A_148 : i32
      }
      %scan3A_99 = arith.constant 26 : i32
      %dma_wait3A_100 = arith.constant 0 : i32
      %dma_wait3A_101 = arith.constant 0 : i32
      %dma_wait3A_102 = tpu.memref_slice %arg5[%dma_wait3A_100, %dma_wait3A_101] : memref<4096x32xf32, #tpu.memory_space<hbm>> -> memref<1300x32xf32, #tpu.memory_space<hbm>>
      %dma_wait3A_103 = arith.constant 0 : i32
      %dma_wait3A_104 = arith.constant 0 : i32
      %dma_wait3A_105 = tpu.memref_slice %arg5[%dma_wait3A_103, %dma_wait3A_104] : memref<4096x32xf32, #tpu.memory_space<hbm>> -> memref<1300x32xf32, #tpu.memory_space<hbm>>
      tpu.wait_dma2 semaphore(%arg12 : memref<!tpu.dma_semaphore, #tpu.memory_space<semaphore_mem>>) src(%dma_wait3A_105 : memref<1300x32xf32, #tpu.memory_space<hbm>>) dst(%arg9 : memref<1300x32xf32, #tpu.memory_space<vmem>>)
      %add3A_106 = arith.addi %mul3A_2, %min3A_53 : i32
      %dma_start3A_107 = arith.constant 0 : i32
      %dma_start3A_108 = arith.constant 0 : i32
      %dma_start3A_109 = tpu.memref_slice %arg2[%add3A_106, %dma_start3A_107, %dma_start3A_108] : memref<4096x26x50xi32, #tpu.memory_space<hbm>> -> memref<1x26x50xi32, #tpu.memory_space<hbm>>
      %dma_start3A_110 = tpu.memref_squeeze %dma_start3A_109 : memref<1x26x50xi32, #tpu.memory_space<hbm>> -> memref<26x50xi32, #tpu.memory_space<hbm>>
      %dma_start3A_111 = arith.constant 0 : i32
      %dma_start3A_112 = arith.constant 0 : i32
      %dma_start3A_113 = tpu.memref_slice %arg2[%add3A_106, %dma_start3A_111, %dma_start3A_112] : memref<4096x26x50xi32, #tpu.memory_space<hbm>> -> memref<1x26x50xi32, #tpu.memory_space<hbm>>
      %dma_start3A_114 = tpu.memref_squeeze %dma_start3A_113 : memref<1x26x50xi32, #tpu.memory_space<hbm>> -> memref<26x50xi32, #tpu.memory_space<hbm>>
      tpu.enqueue_dma source(%dma_start3A_114 : memref<26x50xi32, #tpu.memory_space<hbm>>) target(%arg7 : memref<26x50xi32, #tpu.memory_space<vmem>>) target_semaphore(%arg13 : memref<!tpu.dma_semaphore, #tpu.memory_space<semaphore_mem>>)
      %mul3A_115 = arith.constant 2 : i32
      %mul3A_116 = arith.muli %mul3A_115, %scan3A_41 : i32
      %add3A_117 = arith.constant 1 : i32
      %add3A_118 = arith.addi %mul3A_116, %add3A_117 : i32
      %scan3A_119 = arith.constant 0 : i32
      %scan3A_120 = arith.constant 1300 : i32
      %scan3A_121 = arith.addi %scan3A_119, %scan3A_120 : i32
      %scan3A_122 = arith.constant 10 : i32
      %scan3A_123:2 = scf.for %scan3A_136 = %scan3A_119 to %scan3A_121 step %scan3A_122 iter_args(%scan3A_137 = %broadcast_in_dim3A_3, %scan3A_138 = %broadcast_in_dim3A_3) -> (vector<16xf32>, vector<16xf32>)  : i32 {
        %get3A = arith.index_cast %scan3A_136 : i32 to index
        %get3A_139 = arith.constant 0 : index
        %get3A_140 = tpu.vector_load %arg9[%get3A, %get3A_139] {strides = array<i32>} : memref<1300x32xf32, #tpu.memory_space<vmem>>, vector<1x16xf32>,
        %get3A_141 = vector.shape_cast %get3A_140 : vector<1x16xf32> to vector<16xf32>
        %add3A_142 = arith.addf %scan3A_137, %get3A_141 : vector<16xf32>
        %get3A_143 = arith.index_cast %scan3A_136 : i32 to index
        %get3A_144 = arith.constant 16 : index
        %get3A_145 = tpu.vector_load %arg9[%get3A_143, %get3A_144] {strides = array<i32>} : memref<1300x32xf32, #tpu.memory_space<vmem>>, vector<1x16xf32>,
        %get3A_146 = vector.shape_cast %get3A_145 : vector<1x16xf32> to vector<16xf32>
        %add3A_147 = arith.addf %scan3A_138, %get3A_146 : vector<16xf32>
        %scan3A_148 = arith.constant 1 : i32
        %scan3A_149 = arith.addi %scan3A_136, %scan3A_148 : i32
        %get3A_150 = arith.index_cast %scan3A_149 : i32 to index
        %get3A_151 = arith.constant 0 : index
        %get3A_152 = tpu.vector_load %arg9[%get3A_150, %get3A_151] {strides = array<i32>} : memref<1300x32xf32, #tpu.memory_space<vmem>>, vector<1x16xf32>,
        %get3A_153 = vector.shape_cast %get3A_152 : vector<1x16xf32> to vector<16xf32>
        %add3A_154 = arith.addf %add3A_142, %get3A_153 : vector<16xf32>
        %get3A_155 = arith.index_cast %scan3A_149 : i32 to index
        %get3A_156 = arith.constant 16 : index
        %get3A_157 = tpu.vector_load %arg9[%get3A_155, %get3A_156] {strides = array<i32>} : memref<1300x32xf32, #tpu.memory_space<vmem>>, vector<1x16xf32>,
        %get3A_158 = vector.shape_cast %get3A_157 : vector<1x16xf32> to vector<16xf32>
        %add3A_159 = arith.addf %add3A_147, %get3A_158 : vector<16xf32>
        %scan3A_160 = arith.constant 2 : i32
        %scan3A_161 = arith.addi %scan3A_136, %scan3A_160 : i32
        %get3A_162 = arith.index_cast %scan3A_161 : i32 to index
        %get3A_163 = arith.constant 0 : index
        %get3A_164 = tpu.vector_load %arg9[%get3A_162, %get3A_163] {strides = array<i32>} : memref<1300x32xf32, #tpu.memory_space<vmem>>, vector<1x16xf32>,
        %get3A_165 = vector.shape_cast %get3A_164 : vector<1x16xf32> to vector<16xf32>
        %add3A_166 = arith.addf %add3A_154, %get3A_165 : vector<16xf32>
        %get3A_167 = arith.index_cast %scan3A_161 : i32 to index
        %get3A_168 = arith.constant 16 : index
        %get3A_169 = tpu.vector_load %arg9[%get3A_167, %get3A_168] {strides = array<i32>} : memref<1300x32xf32, #tpu.memory_space<vmem>>, vector<1x16xf32>,
        %get3A_170 = vector.shape_cast %get3A_169 : vector<1x16xf32> to vector<16xf32>
        %add3A_171 = arith.addf %add3A_159, %get3A_170 : vector<16xf32>
        %scan3A_172 = arith.constant 3 : i32
        %scan3A_173 = arith.addi %scan3A_136, %scan3A_172 : i32
        %get3A_174 = arith.index_cast %scan3A_173 : i32 to index
        %get3A_175 = arith.constant 0 : index
        %get3A_176 = tpu.vector_load %arg9[%get3A_174, %get3A_175] {strides = array<i32>} : memref<1300x32xf32, #tpu.memory_space<vmem>>, vector<1x16xf32>,
        %get3A_177 = vector.shape_cast %get3A_176 : vector<1x16xf32> to vector<16xf32>
        %add3A_178 = arith.addf %add3A_166, %get3A_177 : vector<16xf32>
        %get3A_179 = arith.index_cast %scan3A_173 : i32 to index
        %get3A_180 = arith.constant 16 : index
        %get3A_181 = tpu.vector_load %arg9[%get3A_179, %get3A_180] {strides = array<i32>} : memref<1300x32xf32, #tpu.memory_space<vmem>>, vector<1x16xf32>,
        %get3A_182 = vector.shape_cast %get3A_181 : vector<1x16xf32> to vector<16xf32>
        %add3A_183 = arith.addf %add3A_171, %get3A_182 : vector<16xf32>
        %scan3A_184 = arith.constant 4 : i32
        %scan3A_185 = arith.addi %scan3A_136, %scan3A_184 : i32
        %get3A_186 = arith.index_cast %scan3A_185 : i32 to index
        %get3A_187 = arith.constant 0 : index
        %get3A_188 = tpu.vector_load %arg9[%get3A_186, %get3A_187] {strides = array<i32>} : memref<1300x32xf32, #tpu.memory_space<vmem>>, vector<1x16xf32>,
        %get3A_189 = vector.shape_cast %get3A_188 : vector<1x16xf32> to vector<16xf32>
        %add3A_190 = arith.addf %add3A_178, %get3A_189 : vector<16xf32>
        %get3A_191 = arith.index_cast %scan3A_185 : i32 to index
        %get3A_192 = arith.constant 16 : index
        %get3A_193 = tpu.vector_load %arg9[%get3A_191, %get3A_192] {strides = array<i32>} : memref<1300x32xf32, #tpu.memory_space<vmem>>, vector<1x16xf32>,
        %get3A_194 = vector.shape_cast %get3A_193 : vector<1x16xf32> to vector<16xf32>
        %add3A_195 = arith.addf %add3A_183, %get3A_194 : vector<16xf32>
        %scan3A_196 = arith.constant 5 : i32
        %scan3A_197 = arith.addi %scan3A_136, %scan3A_196 : i32
        %get3A_198 = arith.index_cast %scan3A_197 : i32 to index
        %get3A_199 = arith.constant 0 : index
        %get3A_200 = tpu.vector_load %arg9[%get3A_198, %get3A_199] {strides = array<i32>} : memref<1300x32xf32, #tpu.memory_space<vmem>>, vector<1x16xf32>,
        %get3A_201 = vector.shape_cast %get3A_200 : vector<1x16xf32> to vector<16xf32>
        %add3A_202 = arith.addf %add3A_190, %get3A_201 : vector<16xf32>
        %get3A_203 = arith.index_cast %scan3A_197 : i32 to index
        %get3A_204 = arith.constant 16 : index
        %get3A_205 = tpu.vector_load %arg9[%get3A_203, %get3A_204] {strides = array<i32>} : memref<1300x32xf32, #tpu.memory_space<vmem>>, vector<1x16xf32>,
        %get3A_206 = vector.shape_cast %get3A_205 : vector<1x16xf32> to vector<16xf32>
        %add3A_207 = arith.addf %add3A_195, %get3A_206 : vector<16xf32>
        %scan3A_208 = arith.constant 6 : i32
        %scan3A_209 = arith.addi %scan3A_136, %scan3A_208 : i32
        %get3A_210 = arith.index_cast %scan3A_209 : i32 to index
        %get3A_211 = arith.constant 0 : index
        %get3A_212 = tpu.vector_load %arg9[%get3A_210, %get3A_211] {strides = array<i32>} : memref<1300x32xf32, #tpu.memory_space<vmem>>, vector<1x16xf32>,
        %get3A_213 = vector.shape_cast %get3A_212 : vector<1x16xf32> to vector<16xf32>
        %add3A_214 = arith.addf %add3A_202, %get3A_213 : vector<16xf32>
        %get3A_215 = arith.index_cast %scan3A_209 : i32 to index
        %get3A_216 = arith.constant 16 : index
        %get3A_217 = tpu.vector_load %arg9[%get3A_215, %get3A_216] {strides = array<i32>} : memref<1300x32xf32, #tpu.memory_space<vmem>>, vector<1x16xf32>,
        %get3A_218 = vector.shape_cast %get3A_217 : vector<1x16xf32> to vector<16xf32>
        %add3A_219 = arith.addf %add3A_207, %get3A_218 : vector<16xf32>
        %scan3A_220 = arith.constant 7 : i32
        %scan3A_221 = arith.addi %scan3A_136, %scan3A_220 : i32
        %get3A_222 = arith.index_cast %scan3A_221 : i32 to index
        %get3A_223 = arith.constant 0 : index
        %get3A_224 = tpu.vector_load %arg9[%get3A_222, %get3A_223] {strides = array<i32>} : memref<1300x32xf32, #tpu.memory_space<vmem>>, vector<1x16xf32>,
        %get3A_225 = vector.shape_cast %get3A_224 : vector<1x16xf32> to vector<16xf32>
        %add3A_226 = arith.addf %add3A_214, %get3A_225 : vector<16xf32>
        %get3A_227 = arith.index_cast %scan3A_221 : i32 to index
        %get3A_228 = arith.constant 16 : index
        %get3A_229 = tpu.vector_load %arg9[%get3A_227, %get3A_228] {strides = array<i32>} : memref<1300x32xf32, #tpu.memory_space<vmem>>, vector<1x16xf32>,
        %get3A_230 = vector.shape_cast %get3A_229 : vector<1x16xf32> to vector<16xf32>
        %add3A_231 = arith.addf %add3A_219, %get3A_230 : vector<16xf32>
        %scan3A_232 = arith.constant 8 : i32
        %scan3A_233 = arith.addi %scan3A_136, %scan3A_232 : i32
        %get3A_234 = arith.index_cast %scan3A_233 : i32 to index
        %get3A_235 = arith.constant 0 : index
        %get3A_236 = tpu.vector_load %arg9[%get3A_234, %get3A_235] {strides = array<i32>} : memref<1300x32xf32, #tpu.memory_space<vmem>>, vector<1x16xf32>,
        %get3A_237 = vector.shape_cast %get3A_236 : vector<1x16xf32> to vector<16xf32>
        %add3A_238 = arith.addf %add3A_226, %get3A_237 : vector<16xf32>
        %get3A_239 = arith.index_cast %scan3A_233 : i32 to index
        %get3A_240 = arith.constant 16 : index
        %get3A_241 = tpu.vector_load %arg9[%get3A_239, %get3A_240] {strides = array<i32>} : memref<1300x32xf32, #tpu.memory_space<vmem>>, vector<1x16xf32>,
        %get3A_242 = vector.shape_cast %get3A_241 : vector<1x16xf32> to vector<16xf32>
        %add3A_243 = arith.addf %add3A_231, %get3A_242 : vector<16xf32>
        %scan3A_244 = arith.constant 9 : i32
        %scan3A_245 = arith.addi %scan3A_136, %scan3A_244 : i32
        %get3A_246 = arith.index_cast %scan3A_245 : i32 to index
        %get3A_247 = arith.constant 0 : index
        %get3A_248 = tpu.vector_load %arg9[%get3A_246, %get3A_247] {strides = array<i32>} : memref<1300x32xf32, #tpu.memory_space<vmem>>, vector<1x16xf32>,
        %get3A_249 = vector.shape_cast %get3A_248 : vector<1x16xf32> to vector<16xf32>
        %add3A_250 = arith.addf %add3A_238, %get3A_249 : vector<16xf32>
        %get3A_251 = arith.index_cast %scan3A_245 : i32 to index
        %get3A_252 = arith.constant 16 : index
        %get3A_253 = tpu.vector_load %arg9[%get3A_251, %get3A_252] {strides = array<i32>} : memref<1300x32xf32, #tpu.memory_space<vmem>>, vector<1x16xf32>,
        %get3A_254 = vector.shape_cast %get3A_253 : vector<1x16xf32> to vector<16xf32>
        %add3A_255 = arith.addf %add3A_243, %get3A_254 : vector<16xf32>
        scf.yield %add3A_250, %add3A_255 : vector<16xf32>, vector<16xf32>
      }
      %scan3A_124 = arith.constant 1300 : i32
      %swap3A_125 = arith.index_cast %add3A_118 : i32 to index
      %swap3A_126 = arith.constant 0 : index
      %swap3A_127 = tpu.vector_load %arg10[%swap3A_125, %swap3A_126] {strides = array<i32>} : memref<128x32xf32, #tpu.memory_space<vmem>>, vector<1x16xf32>,
      %swap3A_128 = vector.shape_cast %swap3A_127 : vector<1x16xf32> to vector<16xf32>
      %swap3A_129 = vector.shape_cast %scan3A_123#0 : vector<16xf32> to vector<1x16xf32>
      tpu.vector_store %arg10[%swap3A_125, %swap3A_126], %swap3A_129 {strides = array<i32>} : memref<128x32xf32, #tpu.memory_space<vmem>>, vector<1x16xf32>,
      %swap3A_130 = arith.index_cast %add3A_118 : i32 to index
      %swap3A_131 = arith.constant 16 : index
      %swap3A_132 = tpu.vector_load %arg10[%swap3A_130, %swap3A_131] {strides = array<i32>} : memref<128x32xf32, #tpu.memory_space<vmem>>, vector<1x16xf32>,
      %swap3A_133 = vector.shape_cast %swap3A_132 : vector<1x16xf32> to vector<16xf32>
      %swap3A_134 = vector.shape_cast %scan3A_123#1 : vector<16xf32> to vector<1x16xf32>
      tpu.vector_store %arg10[%swap3A_130, %swap3A_131], %swap3A_134 {strides = array<i32>} : memref<128x32xf32, #tpu.memory_space<vmem>>, vector<1x16xf32>,
      %scan3A_135 = arith.constant 0 : i32
      scf.yield %scan3A_135 : i32
    }
    %scan3A_35 = arith.constant 64 : i32
    tpu.wait_dma2 semaphore(%arg13 : memref<!tpu.dma_semaphore, #tpu.memory_space<semaphore_mem>>) src(%arg4 : memref<26x50xi32, #tpu.memory_space<hbm>>) dst(%arg7 : memref<26x50xi32, #tpu.memory_space<vmem>>)
    %dma_wait3A = arith.constant 0 : i32
    %dma_wait3A_36 = arith.constant 0 : i32
    %dma_wait3A_37 = tpu.memref_slice %arg5[%dma_wait3A, %dma_wait3A_36] : memref<4096x32xf32, #tpu.memory_space<hbm>> -> memref<1300x32xf32, #tpu.memory_space<hbm>>
    %dma_wait3A_38 = arith.constant 0 : i32
    %dma_wait3A_39 = arith.constant 0 : i32
    %dma_wait3A_40 = tpu.memref_slice %arg5[%dma_wait3A_38, %dma_wait3A_39] : memref<4096x32xf32, #tpu.memory_space<hbm>> -> memref<1300x32xf32, #tpu.memory_space<hbm>>
    tpu.wait_dma2 semaphore(%arg11 : memref<!tpu.dma_semaphore, #tpu.memory_space<semaphore_mem>>) src(%dma_wait3A_40 : memref<1300x32xf32, #tpu.memory_space<hbm>>) dst(%arg8 : memref<1300x32xf32, #tpu.memory_space<vmem>>)
    "tpu.region"() ({
      %run_scoped3A = tpu.sem_alloc : memref<!tpu.dma_semaphore, #tpu.memory_space<semaphore_mem>>
      %dma_start3A_41 = arith.constant 0 : i32
      %dma_start3A_42 = tpu.memref_slice %arg5[%mul3A_2, %dma_start3A_41] : memref<4096x32xf32, #tpu.memory_space<hbm>> -> memref<128x32xf32, #tpu.memory_space<hbm>>
      %dma_start3A_43 = arith.constant 0 : i32
      %dma_start3A_44 = tpu.memref_slice %arg5[%mul3A_2, %dma_start3A_43] : memref<4096x32xf32, #tpu.memory_space<hbm>> -> memref<128x32xf32, #tpu.memory_space<hbm>>
      tpu.enqueue_dma source(%arg10 : memref<128x32xf32, #tpu.memory_space<vmem>>) target(%dma_start3A_44 : memref<128x32xf32, #tpu.memory_space<hbm>>) target_semaphore(%run_scoped3A : memref<!tpu.dma_semaphore, #tpu.memory_space<semaphore_mem>>)
      %dma_wait3A_45 = arith.constant 0 : i32
      %dma_wait3A_46 = tpu.memref_slice %arg5[%mul3A_2, %dma_wait3A_45] : memref<4096x32xf32, #tpu.memory_space<hbm>> -> memref<128x32xf32, #tpu.memory_space<hbm>>
      %dma_wait3A_47 = arith.constant 0 : i32
      %dma_wait3A_48 = tpu.memref_slice %arg5[%mul3A_2, %dma_wait3A_47] : memref<4096x32xf32, #tpu.memory_space<hbm>> -> memref<128x32xf32, #tpu.memory_space<hbm>>
      tpu.wait_dma2 semaphore(%run_scoped3A : memref<!tpu.dma_semaphore, #tpu.memory_space<semaphore_mem>>) src(%arg10 : memref<128x32xf32, #tpu.memory_space<vmem>>) dst(%dma_wait3A_48 : memref<128x32xf32, #tpu.memory_space<hbm>>)
      tpu.yield
    }) : () -> ()
    return
  }
}

module attributes {stable_mosaic.version = 14 : i64} {
  func.func @_mlp_body(%arg0: memref<4096x32xf32, #tpu.memory_space<vmem>>, %arg1: memref<32x32xf32, #tpu.memory_space<vmem>>, %arg2: memref<1x32xf32, #tpu.memory_space<vmem>>, %arg3: memref<1x32xf32, #tpu.memory_space<vmem>>, %arg4: memref<1x1xf32, #tpu.memory_space<vmem>>, %arg5: memref<4096x1xf32, #tpu.memory_space<vmem>>) attributes {dimension_semantics = [], scalar_prefetch = 0 : i64, scratch_operands = 0 : i64, tpu.core_type = #tpu.core_type<tc>} {
    %get3A = arith.constant 0 : index
    %get3A_0 = arith.constant 0 : index
    %get3A_1 = vector.load %arg0[%get3A, %get3A_0] : memref<4096x32xf32, #tpu.memory_space<vmem>>, vector<4096x32xf32>
    %mul3A = arith.constant 7.6923077E-4 : f32
    %mul3A_2 = vector.broadcast %mul3A : f32 to vector<4096x32xf32>
    %mul3A_3 = arith.mulf %get3A_1, %mul3A_2 : vector<4096x32xf32>
    %get3A_4 = arith.constant 0 : index
    %get3A_5 = arith.constant 0 : index
    %get3A_6 = vector.load %arg1[%get3A_4, %get3A_5] : memref<32x32xf32, #tpu.memory_space<vmem>>, vector<32x32xf32>
    %dot_general3A = arith.constant dense<0.000000e+00> : vector<4096x32xf32>
    %dot_general3A_7 = tpu.matmul %mul3A_3, %get3A_6, %dot_general3A {dimension_numbers = #tpu.dot_dimension_numbers<[1], [1], [0], [0], [0, 0, 1, 0], [], []>, transpose_lhs_hint = false} : vector<4096x32xf32>, vector<32x32xf32>, vector<4096x32xf32> -> vector<4096x32xf32>
    %get3A_8 = arith.constant 0 : index
    %get3A_9 = arith.constant 0 : index
    %get3A_10 = vector.load %arg2[%get3A_8, %get3A_9] : memref<1x32xf32, #tpu.memory_space<vmem>>, vector<1x32xf32>
    %add3A = vector.broadcast %get3A_10 : vector<1x32xf32> to vector<4096x32xf32>
    %add3A_11 = arith.addf %dot_general3A_7, %add3A : vector<4096x32xf32>
    %max3A = arith.constant 0.000000e+00 : f32
    %max3A_12 = vector.broadcast %max3A : f32 to vector<4096x32xf32>
    %max3A_13 = arith.maximumf %add3A_11, %max3A_12 : vector<4096x32xf32>
    %get3A_14 = arith.constant 0 : index
    %get3A_15 = arith.constant 0 : index
    %get3A_16 = vector.load %arg3[%get3A_14, %get3A_15] : memref<1x32xf32, #tpu.memory_space<vmem>>, vector<1x32xf32>
    %mul3A_17 = vector.broadcast %get3A_16 : vector<1x32xf32> to vector<4096x32xf32>
    %mul3A_18 = arith.mulf %max3A_13, %mul3A_17 : vector<4096x32xf32>
    %reduce_sum3A = arith.constant dense<0.000000e+00> : vector<4096xf32>
    %reduce_sum3A_19 = vector.multi_reduction <add>, %mul3A_18, %reduce_sum3A [1] : vector<4096x32xf32> to vector<4096xf32>
    %broadcast_in_dim3A = vector.shape_cast %reduce_sum3A_19 : vector<4096xf32> to vector<4096x1xf32>
    %get3A_20 = arith.constant 0 : index
    %get3A_21 = arith.constant 0 : index
    %get3A_22 = vector.load %arg4[%get3A_20, %get3A_21] : memref<1x1xf32, #tpu.memory_space<vmem>>, vector<1x1xf32>
    %add3A_23 = vector.broadcast %get3A_22 : vector<1x1xf32> to vector<4096x1xf32>
    %add3A_24 = arith.addf %broadcast_in_dim3A, %add3A_23 : vector<4096x1xf32>
    %swap3A = arith.constant 0 : index
    %swap3A_25 = arith.constant 0 : index
    %swap3A_26 = vector.load %arg5[%swap3A, %swap3A_25] : memref<4096x1xf32, #tpu.memory_space<vmem>>, vector<4096x1xf32>
    tpu.vector_store %arg5[%swap3A, %swap3A_25], %add3A_24 {strides = array<i32>} : memref<4096x1xf32, #tpu.memory_space<vmem>>, vector<4096x1xf32>,
    return
  }
}

</mosaic_0001>

<sc_bundles>
// kernel: kernel.4.cloned.1.call-start
scs
__scs_entry_jumppad:
0x0: {  	(pc) =	sbr.rel $0x88, $3  }
0x1: {  	(tag) =	ssettag $0x0;
	lr =	simm.s32 $0x1  }
0x2: {  	[smem:$0x3F9B] =	sst lr;
	_ =	strace $0xD0000000  }
0x3: {  	_ = 	snop  }
0x4: {  	_ = 	snop  }
0x5: {  	_ = 	snop  }
0x6: {  	_ = 	snop  }
0x7: {  	_ = 	snop  }
__scs_overlays_trampoline_lowered:
0x8: {  	[smem:$0x3FAA] =	sst s0  }
0x9: {  	[smem:$0x3FAB] =	sst s1  }
0xa: {  	[smem:$0x3FAC] =	sst s2  }
0xb: {  	[smem:$0x3FAD] =	sst s3  }
0xc: {  	[smem:$0x3FAE] =	sst s4  }
0xd: {  	[smem:$0x3FAF] =	sst s5  }
0xe: {  	[smem:$0x3FB0] =	sst s6  }
0xf: {  	[smem:$0x3FB1] =	sst s7  }
0x10: {  	[smem:$0x3FB2] =	sst s8  }
0x11: {  	[smem:$0x3FB3] =	sst s9;
	s0 =	simm.s32 @!p0 $0x0  }
0x12: {  	s1 =	sld [smem:$0x3F99];
	s0 =	simm.s32 @p0 $0x1  }
0x13: {  	[smem:$0x3FB4] =	sst s0;
	s0 =	simm.s32 @!p1 $0x0  }
0x14: {  	s2 =	sld [smem:$0x3F98];
	s0 =	simm.s32 @p1 $0x1  }
0x15: {  	[smem:$0x3FB5] =	sst s0;
	s0 =	simm.s32 @!p2 $0x0  }
0x16: {  	s3 =	sld [smem:$0x3FDB];
	s0 =	simm.s32 @p2 $0x1  }
0x17: {  	s4 =	simm.s32 $0x1BF5;
	[smem:$0x3FB7] =	sst s0  }
0x18: {  	s0 =	sld [smem:$0x3F9A];
	_ =	swait.ge [sflag:s4], $0x0  }
0x19: {  	s7 =	sld [smem:$0x3F9B]  }
0x1a: {  	s8 =	sadd.s32 $0xFFFFE003, lr  }
0x1b: {  	s9 =	sadd.s32 $0xFFFFFEF7, lr;
	s5 =	simm.s32 $0xFFFFFFFF;
	p2 =	slt.u32 s8, $0xFFFFF086  }
0x1c: {  	p1 =	slt.u32 s9, $0xF7A;
	s5 =	simm.s32 @!p2 $0x0  }
0x1d: {  	s5 =	simm.s32 @p1 $0x1;
	p0 =	seq.s32 s7, s2  }
0x1e: {  	s7 =	smul.u32 @!p0 $0xF7A, s2;
	p2 =	seq.s32 @!p0 s5, $0x0  }
0x1f: {  	s9 =	smul.u32 $0xF7A, s1;
	s8 =	simm.s32 @!p0 $0x1BF5;
	p2 =	por !p2, p0  }
0x20: {  	[sflag:s8] =	ssyncset.s32 @!p0 $0xFFFFF086;
	s6 =	sadd.s32 @!p0 s3, s7;
	s7 =	simm.s32 @!p0 $0x108  }
0x21: {  	s3 =	sadd.s32 s3, s9;
	s6 =	sadd.s32 @!p0 $0x88, s6;
	s7 =	simm.s32 @p2 $0x1082  }
0x22: {  	[simem:s7], [sflag:s8] =	dma.local @!p0 [hbm:s6], $0xF7A  }
0x23: {  	s9 =	sor.u32 $0xD0000000, s2;
	s6 =	simm.s32 $0x108;
	_ =	swait.ge @!p0 [sflag:s8], $0x0  }
0x24: {  	s3 =	sadd.s32 $0x88, s3;
	s6 =	simm.s32 @!p1 $0x1082;
	[sflag:s4] =	ssyncset.s32 $0xFFFFF086  }
0x25: {  	[simem:s6], [sflag:s4] =	dma.local [hbm:s3], $0xF7A  }
0x26: {  	[smem:$0x3F9B] =	sst s1;
	(tag) =	ssettag s2;
	_ =	strace s9  }
0x27: {  	s1 =	sld [smem:$0x3FAB]  }
0x28: {  	s2 =	sld [smem:$0x3FAC]  }
0x29: {  	s4 =	sld [smem:$0x3FAE]  }
0x2a: {  	p0 =	seq.s32 s5, $0x0;
	s5 =	sld [smem:$0x3FAF]  }
0x2b: {  	s6 =	sld [smem:$0x3FB0]  }
0x2c: {  	s7 =	sld [smem:$0x3FB1]  }
0x2d: {  	s3 =	simm.s32 $0x108;
	s8 =	sld [smem:$0x3FB2]  }
0x2e: {  	s3 =	simm.s32 @!p0 $0x1082;
	s9 =	sld [smem:$0x3FB3]  }
0x2f: {  	lr =	sadd.s32 s0, s3;
	s0 =	sld [smem:$0x3FAA]  }
0x30: {  	s3 =	sld [smem:$0x3FAD]  }
0x31: {  	[smem:$0x3FB6] =	sst s10  }
0x32: {  	s10 =	sld [smem:$0x3FB4];
	_ =	sdelay $0x3  }
0x33: {  	p0 =	seq.s32 s10, $0x1;
	s10 =	sld [smem:$0x3FB6];
	_ =	sdelay $0x3  }
0x34: {  	[smem:$0x3FB6] =	sst s10  }
0x35: {  	s10 =	sld [smem:$0x3FB5];
	_ =	sdelay $0x3  }
0x36: {  	p1 =	seq.s32 s10, $0x1;
	s10 =	sld [smem:$0x3FB6];
	_ =	sdelay $0x3  }
0x37: {  	[smem:$0x3FB6] =	sst s10  }
0x38: {  	s10 =	sld [smem:$0x3FB7]  }
0x39: {  	_ = 	snop;
	(pc) =	sbr.ind lr, $3  }
0x3a: {  	_ = 	snop  }
0x3b: {  	_ = 	snop  }
0x3c: {  	p2 =	seq.s32 s10, $0x1;
	s10 =	sld [smem:$0x3FB6]  }
0x3d: {  	_ =	shalt  }
0x3e: {  	_ =	shalt  }
0x3f: {  	_ =	shalt  }
0x40: {  	_ =	shalt  }
0x41: {  	_ =	shalt  }
0x42: {  	_ =	shalt  }
0x43: {  	_ =	shalt  }
0x44: {  	_ =	shalt  }
0x45: {  	_ =	shalt  }
0x46: {  	_ =	shalt  }
0x47: {  	_ =	shalt  }
0x48: {  	_ =	shalt  }
0x49: {  	_ =	shalt  }
0x4a: {  	_ =	shalt  }
0x4b: {  	_ =	shalt  }
0x4c: {  	_ =	shalt  }
0x4d: {  	_ =	shalt  }
0x4e: {  	_ =	shalt  }
0x4f: {  	_ =	shalt  }
0x50: {  	_ =	shalt  }
0x51: {  	_ =	shalt  }
0x52: {  	_ =	shalt  }
0x53: {  	_ =	shalt  }
0x54: {  	_ =	shalt  }
0x55: {  	_ =	shalt  }
0x56: {  	_ =	shalt  }
0x57: {  	_ =	shalt  }
0x58: {  	_ =	shalt  }
0x59: {  	_ =	shalt  }
0x5a: {  	_ =	shalt  }
0x5b: {  	_ =	shalt  }
0x5c: {  	_ =	shalt  }
0x5d: {  	_ =	shalt  }
0x5e: {  	_ =	shalt  }
0x5f: {  	_ =	shalt  }
0x60: {  	_ =	shalt  }
0x61: {  	_ =	shalt  }
0x62: {  	_ =	shalt  }
0x63: {  	_ =	shalt  }
0x64: {  	_ =	shalt  }
0x65: {  	_ =	shalt  }
0x66: {  	_ =	shalt  }
0x67: {  	_ =	shalt  }
0x68: {  	_ =	shalt  }
0x69: {  	_ =	shalt  }
0x6a: {  	_ =	shalt  }
0x6b: {  	_ =	shalt  }
0x6c: {  	_ =	shalt  }
0x6d: {  	_ =	shalt  }
0x6e: {  	_ =	shalt  }
0x6f: {  	_ =	shalt  }
0x70: {  	_ =	shalt  }
0x71: {  	_ =	shalt  }
0x72: {  	_ =	shalt  }
0x73: {  	_ =	shalt  }
0x74: {  	_ =	shalt  }
0x75: {  	_ =	shalt  }
0x76: {  	_ =	shalt  }
0x77: {  	_ =	shalt  }
0x78: {  	_ =	shalt  }
0x79: {  	_ =	shalt  }
0x7a: {  	_ =	shalt  }
0x7b: {  	_ =	shalt  }
0x7c: {  	_ =	shalt  }
0x7d: {  	_ =	shalt  }
0x7e: {  	_ =	shalt  }
0x7f: {  	_ =	shalt  }
0x80: {  	_ =	shalt  }
0x81: {  	_ =	shalt  }
0x82: {  	_ =	shalt  }
0x83: {  	_ =	shalt  }
0x84: {  	_ =	shalt  }
0x85: {  	_ =	shalt  }
0x86: {  	_ =	shalt  }
0x87: {  	_ =	shalt  }
.Lfunc_end0:
.L_simem_size_0:
called_computation_lowered:
.L_overlay_start_0:
0x88: {  	s2 =	sld [smem:$0x3FD9]  }
0x89: {  	s3 =	sld [smem:$0x3FFE];
	_ =	sdelay $0x1  }
0x8a: {  	s1 =	srdreg.scid  }
0x8b: {  	s0 =	sand.u32 $0x1, s1  }
0x8c: {  	s16 =	sshll.u32 s0, $0xA;
	s2 =	sadd.s32 s3, s2  }
0x8d: {  	s2 =	sadd.s32 s2, s16  }
0x8e: {  	[smem:$0x3FC2] =	sst s2  }
0x8f: {  	_ = 	snop  }
0x90: {  	(tm) =	ssettm $0x1  }
0x91: {  	s17 =	sld [smem:$0x3FFB];
	_ =	sdelay $0x3  }
0x92: {  	_ =	strace s17  }
0x93: {  	s2 =	sld [smem:$0x3FFC];
	_ =	sdelay $0x3  }
0x94: {  	_ =	strace s2  }
0x95: {  	s2 =	sld [smem:$0x3FFD];
	_ =	sdelay $0x3  }
0x96: {  	_ =	strace s2  }
0x97: {  	_ =	strace $0x8FFFFFFF  }
0x98: {  	s18 =	sld [smem:$0x3FDB];
	_ =	sdelay $0x1  }
0x99: {  	s19 =	simm.s32 $_scs_section_size  }
0x9a: {  	s4 =	simm.s32 $_size__tile_overlayer_lowered;
	s5 =	simm.s32 $_tile_overlayer_lowered  }
0x9b: {  	s22 =	simm.s32 $0x1BFF;
	s21 =	sshll.u32 s5, $0x1;
	s2 =	sadd.s32 s19, s18  }
0x9c: {  	s6 =	simm.s32 $0x0;
	s20 =	sshll.u32 s4, $0x1;
	s4 =	sadd.s32 s21, s2  }
0x9d: {  	[timem:s6], [sflag:s22] =	dma.local [hbm:s4], s20  }
0x9e: {  	_ =	swait.ge [sflag:s22], s20  }
0x9f: {  	s3 =	ssub.s32 $0x0, s20;
	[sflag:s22] =	ssyncset.done $0x0  }
0xa0: {  	[sflag:s22] =	ssyncadd.s32 s3;
	_ =	sdelay $0x1  }
0xa1: {  	s23 =	simm.s32 $0x1B8B  }
0xa2: {  	_ =	swait.ge [sflag:s23], $0x1  }
0xa3: {  	[sflag:s23] =	ssyncset.done $0x0  }
0xa4: {  	s25 =	simm.s32 $0x1B8E;
	s24 =	sld [smem:$0x3FFE];
	[sflag:s23] =	ssyncadd.s32 $0xFFFFFFFF  }
0xa5: {  	s26 =	simm.s32 $execute0_lowered;
	[smem:$0x3FD2] =	sst s25  }
0xa6: {  	s4 =	sshll.u32 s26, $0x1;
	_ =	strace $0x80000046;
	[dreg:$0x1] =	wrdreg $0xFFFFFFFF  }
0xa7: {  	s28 =	simm.s32 $_size_execute0_lowered;
	s2 =	sadd.s32 s2, s4;
	[dreg:$0x0] =	wrdreg $0x0  }
0xa8: {  	s4 =	sshll.u32 s28, $0x1;
	[dreg:$0x2] =	wrdreg s2  }
0xa9: {  	[dreg:$0x3] =	wrdreg s4  }
0xaa: {  	[dreg:$0x4] =	wrdreg $0xC0  }
0xab: {  	_ =	task [dreg:s6], $0x5FFFF  }
0xac: {  	[dreg:$0x1] =	wrdreg $0xFFFFFFFF  }
0xad: {  	[dreg:$0x0] =	wrdreg $0x60  }
0xae: {  	[dreg:$0x2] =	wrdreg s24  }
0xaf: {  	[dreg:$0x3] =	wrdreg $0x9  }
0xb0: {  	_ =	task.clear_ibuf [dreg:s6], $0x4FFFF;
	_ =	strace $0x90000046  }
0xb1: {  	s29 =	simm.s32 $0x9;
	_ =	strace $0x80000048  }
0xb2: {  	_ =	swait.ge [sflag:s29], $0x1  }
0xb3: {  	[sflag:s29] =	ssyncadd.s32 $0xFFFFFFFF  }
0xb4: {  	_ =	strace $0x90000048  }
0xb5: {  	_ =	sfence  }
0xb6: {  	s30 =	sld [smem:$0x0];
	_ =	sdelay $0x2  }
0xb7: {  	s31 =	sshll.u32 s1, $0xD;
	s1 =	sshrl.u32 s1, $0x2  }
0xb8: {  	s3 =	sand.u32 $0x4000, s31;
	s1 =	sadd.s32 s1, s30  }
0xb9: {  	s0 =	sor.u32 s3, s0;
	s1 =	sshll.u32 s1, $0x11  }
0xba: {  	s0 =	sor.u32 s1, s0  }
0xbb: {  	s0 =	sadd.s32 $0x8F2B, s0  }
0xbc: {  	[sflag:s0] =	ssyncadd.remote.s32 $0x1  }
0xbd: {  	_ =	sfence.sel $0xFFFF  }
0xbe: {  	[dreg:$0x0] =	wrdreg $0xFFFFFFFF;
	(pc) =	sbr.abs _section_cstart, $3  }
0xbf: {  	[dreg:$0x1] =	wrdreg $0xFFFFFFFF  }
0xc0: {  	_ =	task.clear_ibuf [dreg:s6], $0x2FFFF;
	_ =	strace $0x9FFFFFFF  }
0xc1: {  	(tm) =	ssettm $0x7FFFFFFF  }
tec
execute0_lowered:
.L_overlay_start_1:
0x0: {  	(tag) =	ssettag $0x1  }
0x1: {  	s0 =	rddreg [dreg:$0x0];
	s1 =	srdreg.scid  }
0x2: {  	s3 =	stileid.u32;
	s2 =	simm.s32 $0x0;
	s11 =	simm.s32 $0x3  }
0x3: {  	s12 =	simm.s32 $0x32;
	s16 =	simm.s32 $0x5B0;
	s29 =	simm.s32 $0x9A0  }
0x4: {  	s18 =	simm.s32 $0x11E60;
	s30 =	simm.s32 $0x9D8;
	s19 =	simm.s32 $0x124A0  }
0x5: {  	s31 =	simm.s32 $0xA10;
	s20 =	simm.s32 $0x12AE0;
	s21 =	simm.s32 $0x13120  }
0x6: {  	s22 =	simm.s32 $0x13760;
	s23 =	simm.s32 $0x13DA0;
	s9 =	simm.s32 $0xAF0  }
0x7: {  	s24 =	simm.s32 $0x143E0;
	s10 =	simm.s32 $0xB28;
	s25 =	simm.s32 $0x14A20  }
0x8: {  	s26 =	simm.s32 $0x2;
	s15 =	simm.s32 $0x0;
	s1 =	sand.u32 $0x1, s1  }
0x9: {  	s3 =	sshll.u32 s3, $0x8;
	[smem:$0x7FF] =	sst s2;
	s4 =	sshll.u32 s1, $0x7  }
0xa: {  	_ =	strace $0x80000047;
	s1 =	ssub.s32 $0x2, s1;
	s5 =	sor.u32 s4, s3  }
0xb: {  	s3 =	sadd.s32 $0x800, s0;
	s4 =	sadd.s32 $0xF42C00, s0;
	s8 =	sshrl.u32 s1, $0x1  }
0xc: {  	s6 =	smul.u32 $0xB6, s5;
	s7 =	sshll.u32 s5, $0x2;
	s1 =	ssub.s32 s1, s8  }
0xd: {  	s8 =	sor.u32 $0x3, s5;
	s0 =	sadd.s32 s7, s0;
	s28 =	smax.u32 s1, $0x1  }
0xe: {  	s7 =	sor.u32 $0x2, s5;
	s6 =	sadd.s32 s3, s6;
	[dreg:$0x5] =	wrdreg s28  }
0xf: {  	s1 =	simm.s32 $0xA80;
	s0 =	sadd.s32 $0xB6800, s0;
	[dreg:$0x2] =	wrdreg s6  }
0x10: {  	s5 =	simm.s32 $0x1;
	s6 =	sadd.s32 $0xB6, s6;
	[dreg:$0x4] =	wrdreg s0  }
0x11: {  	s0 =	simm.s32 $0xA48;
	[dreg:$0x3] =	wrdreg s6;
	s6 =	simm.s32 $0xAB8  }
.LBB2_1:
0x12: {  	[dreg:$0x6] =	wrdreg s15  }
0x13: {  	s13 =	rddreg [dreg:$0x2]  }
0x14: {  	[tilespmem:s2], [sflag:$0x3] =	stream.linear.gather [hbm4b:s13+s2], $0x5B0, $0x38;
	[tilespmem:$0x16060] =	vst v63  }
0x15: {  	_ =	swait.ge [sflag:s11], $0x5B0  }
0x16: {  	[sflag:s11] =	ssyncset.done $0x0  }
0x17: {  	s14 =	simm.s32 $0xB60;
	[sflag:s11] =	ssyncadd.s32 $0xFFFFFA50  }
0x18: {  	[tilespmem:s14], [sflag:$0x1] =	stream.indirect.gather [hbm4b:s4+s12], $0x20, s2, s12, $0xb8;
	[tilespmem:$0x16060] =	vst v63  }
0x19: {  	s15 =	simm.s32 $0x38;
	s14 =	simm.s32 $0x11A0  }
0x1a: {  	[tilespmem:s14], [sflag:$0x1] =	stream.indirect.gather [hbm4b:s4+s12], $0x20, s15, s12, $0xb8;
	[tilespmem:$0x16060] =	vst v63  }
0x1b: {  	s17 =	simm.s32 $0x70;
	s28 =	simm.s32 $0x17E0  }
0x1c: {  	[tilespmem:s28], [sflag:$0x1] =	stream.indirect.gather [hbm4b:s4+s12], $0x20, s17, s12, $0xb8;
	[tilespmem:$0x16060] =	vst v63  }
0x1d: {  	s14 =	simm.s32 $0xA8;
	s15 =	simm.s32 $0x1E20  }
0x1e: {  	[tilespmem:s15], [sflag:$0x1] =	stream.indirect.gather [hbm4b:s4+s12], $0x20, s14, s12, $0xb8;
	[tilespmem:$0x16060] =	vst v63  }
0x1f: {  	s17 =	simm.s32 $0xE0;
	s28 =	simm.s32 $0x2460  }
0x20: {  	[tilespmem:s28], [sflag:$0x1] =	stream.indirect.gather [hbm4b:s4+s12], $0x20, s17, s12, $0xb8;
	[tilespmem:$0x16060] =	vst v63  }
0x21: {  	s14 =	simm.s32 $0x118;
	s15 =	simm.s32 $0x2AA0  }
0x22: {  	[tilespmem:s15], [sflag:$0x1] =	stream.indirect.gather [hbm4b:s4+s12], $0x20, s14, s12, $0xb8;
	[tilespmem:$0x16060] =	vst v63  }
0x23: {  	s17 =	simm.s32 $0x150;
	s28 =	simm.s32 $0x30E0  }
0x24: {  	[tilespmem:s28], [sflag:$0x1] =	stream.indirect.gather [hbm4b:s4+s12], $0x20, s17, s12, $0xb8;
	[tilespmem:$0x16060] =	vst v63  }
0x25: {  	s14 =	simm.s32 $0x188;
	s15 =	simm.s32 $0x3720  }
0x26: {  	[tilespmem:s15], [sflag:$0x1] =	stream.indirect.gather [hbm4b:s4+s12], $0x20, s14, s12, $0xb8;
	[tilespmem:$0x16060] =	vst v63  }
0x27: {  	s17 =	simm.s32 $0x1C0;
	s28 =	simm.s32 $0x3D60  }
0x28: {  	[tilespmem:s28], [sflag:$0x1] =	stream.indirect.gather [hbm4b:s4+s12], $0x20, s17, s12, $0xb8;
	[tilespmem:$0x16060] =	vst v63  }
0x29: {  	s14 =	simm.s32 $0x1F8;
	s15 =	simm.s32 $0x43A0  }
0x2a: {  	[tilespmem:s15], [sflag:$0x1] =	stream.indirect.gather [hbm4b:s4+s12], $0x20, s14, s12, $0xb8;
	[tilespmem:$0x16060] =	vst v63  }
0x2b: {  	s17 =	simm.s32 $0x230;
	s28 =	simm.s32 $0x49E0  }
0x2c: {  	[tilespmem:s28], [sflag:$0x1] =	stream.indirect.gather [hbm4b:s4+s12], $0x20, s17, s12, $0xb8;
	[tilespmem:$0x16060] =	vst v63  }
0x2d: {  	s14 =	simm.s32 $0x268;
	s15 =	simm.s32 $0x5020  }
0x2e: {  	[tilespmem:s15], [sflag:$0x1] =	stream.indirect.gather [hbm4b:s4+s12], $0x20, s14, s12, $0xb8;
	[tilespmem:$0x16060] =	vst v63  }
0x2f: {  	s17 =	simm.s32 $0x2A0;
	s28 =	simm.s32 $0x5660  }
0x30: {  	[tilespmem:s28], [sflag:$0x1] =	stream.indirect.gather [hbm4b:s4+s12], $0x20, s17, s12, $0xb8;
	[tilespmem:$0x16060] =	vst v63  }
0x31: {  	s14 =	simm.s32 $0x2D8;
	s15 =	simm.s32 $0x5CA0  }
0x32: {  	[tilespmem:s15], [sflag:$0x1] =	stream.indirect.gather [hbm4b:s4+s12], $0x20, s14, s12, $0xb8;
	[tilespmem:$0x16060] =	vst v63  }
0x33: {  	s17 =	simm.s32 $0x310;
	s28 =	simm.s32 $0x62E0  }
0x34: {  	[tilespmem:s28], [sflag:$0x1] =	stream.indirect.gather [hbm4b:s4+s12], $0x20, s17, s12, $0xb8;
	[tilespmem:$0x16060] =	vst v63  }
0x35: {  	s14 =	simm.s32 $0x348;
	s15 =	simm.s32 $0x6920  }
0x36: {  	[tilespmem:s15], [sflag:$0x1] =	stream.indirect.gather [hbm4b:s4+s12], $0x20, s14, s12, $0xb8;
	[tilespmem:$0x16060] =	vst v63  }
0x37: {  	s17 =	simm.s32 $0x380;
	s28 =	simm.s32 $0x6F60  }
0x38: {  	[tilespmem:s28], [sflag:$0x1] =	stream.indirect.gather [hbm4b:s4+s12], $0x20, s17, s12, $0xb8;
	[tilespmem:$0x16060] =	vst v63  }
0x39: {  	s14 =	simm.s32 $0x3B8;
	s15 =	simm.s32 $0x75A0  }
0x3a: {  	[tilespmem:s15], [sflag:$0x1] =	stream.indirect.gather [hbm4b:s4+s12], $0x20, s14, s12, $0xb8;
	[tilespmem:$0x16060] =	vst v63  }
0x3b: {  	s17 =	simm.s32 $0x3F0;
	s28 =	simm.s32 $0x7BE0  }
0x3c: {  	[tilespmem:s28], [sflag:$0x1] =	stream.indirect.gather [hbm4b:s4+s12], $0x20, s17, s12, $0xb8;
	[tilespmem:$0x16060] =	vst v63  }
0x3d: {  	s14 =	simm.s32 $0x428;
	s15 =	simm.s32 $0x8220  }
0x3e: {  	[tilespmem:s15], [sflag:$0x1] =	stream.indirect.gather [hbm4b:s4+s12], $0x20, s14, s12, $0xb8;
	[tilespmem:$0x16060] =	vst v63  }
0x3f: {  	s17 =	simm.s32 $0x460;
	s28 =	simm.s32 $0x8860  }
0x40: {  	[tilespmem:s28], [sflag:$0x1] =	stream.indirect.gather [hbm4b:s4+s12], $0x20, s17, s12, $0xb8;
	[tilespmem:$0x16060] =	vst v63  }
0x41: {  	s14 =	simm.s32 $0x498;
	s15 =	simm.s32 $0x8EA0  }
0x42: {  	[tilespmem:s15], [sflag:$0x1] =	stream.indirect.gather [hbm4b:s4+s12], $0x20, s14, s12, $0xb8;
	[tilespmem:$0x16060] =	vst v63  }
0x43: {  	s17 =	simm.s32 $0x4D0;
	s28 =	simm.s32 $0x94E0  }
0x44: {  	[tilespmem:s28], [sflag:$0x1] =	stream.indirect.gather [hbm4b:s4+s12], $0x20, s17, s12, $0xb8;
	[tilespmem:$0x16060] =	vst v63  }
0x45: {  	s14 =	simm.s32 $0x508;
	s15 =	simm.s32 $0x9B20  }
0x46: {  	[tilespmem:s15], [sflag:$0x1] =	stream.indirect.gather [hbm4b:s4+s12], $0x20, s14, s12, $0xb8;
	[tilespmem:$0x16060] =	vst v63  }
0x47: {  	s17 =	simm.s32 $0x540;
	s28 =	simm.s32 $0xA160  }
0x48: {  	[tilespmem:s28], [sflag:$0x1] =	stream.indirect.gather [hbm4b:s4+s12], $0x20, s17, s12, $0xb8;
	[tilespmem:$0x16060] =	vst v63  }
0x49: {  	s15 =	simm.s32 $0x578;
	s17 =	simm.s32 $0xA7A0  }
0x4a: {  	[tilespmem:s17], [sflag:$0x1] =	stream.indirect.gather [hbm4b:s4+s12], $0x20, s15, s12, $0xb8;
	[tilespmem:$0x16060] =	vst v63  }
0x4b: {  	s13 =	simm.s32 $0x0;
	s28 =	rddreg [dreg:$0x3]  }
0x4c: {  	[tilespmem:s16], [sflag:$0x3] =	stream.linear.gather [hbm4b:s28+s2], $0x5B0, $0x38;
	[tilespmem:$0x16060] =	vst v63  }
.LBB2_2:
0x4d: {  	_ =	swait.ge [sflag:s11], $0x5B0  }
0x4e: {  	[sflag:s11] =	ssyncset.done $0x0  }
0x4f: {  	s14 =	simm.s32 $0xADE0;
	[sflag:s11] =	ssyncadd.s32 $0xFFFFFA50  }
0x50: {  	[tilespmem:s14], [sflag:$0x2] =	stream.indirect.gather [hbm4b:s4+s12], $0x20, s16, s12, $0xb8;
	[tilespmem:$0x16060] =	vst v63  }
0x51: {  	s17 =	simm.s32 $0x5E8;
	s15 =	simm.s32 $0xB420  }
0x52: {  	[tilespmem:s15], [sflag:$0x2] =	stream.indirect.gather [hbm4b:s4+s12], $0x20, s17, s12, $0xb8;
	[tilespmem:$0x16060] =	vst v63  }
0x53: {  	s15 =	simm.s32 $0x620;
	s17 =	simm.s32 $0xBA60  }
0x54: {  	[tilespmem:s17], [sflag:$0x2] =	stream.indirect.gather [hbm4b:s4+s12], $0x20, s15, s12, $0xb8;
	[tilespmem:$0x16060] =	vst v63  }
0x55: {  	s15 =	simm.s32 $0x658;
	s17 =	simm.s32 $0xC0A0  }
0x56: {  	[tilespmem:s17], [sflag:$0x2] =	stream.indirect.gather [hbm4b:s4+s12], $0x20, s15, s12, $0xb8;
	[tilespmem:$0x16060] =	vst v63  }
0x57: {  	s15 =	simm.s32 $0x690;
	s17 =	simm.s32 $0xC6E0  }
0x58: {  	[tilespmem:s17], [sflag:$0x2] =	stream.indirect.gather [hbm4b:s4+s12], $0x20, s15, s12, $0xb8;
	[tilespmem:$0x16060] =	vst v63  }
0x59: {  	s15 =	simm.s32 $0x6C8;
	s17 =	simm.s32 $0xCD20  }
0x5a: {  	[tilespmem:s17], [sflag:$0x2] =	stream.indirect.gather [hbm4b:s4+s12], $0x20, s15, s12, $0xb8;
	[tilespmem:$0x16060] =	vst v63  }
0x5b: {  	s15 =	simm.s32 $0x700;
	s17 =	simm.s32 $0xD360  }
0x5c: {  	[tilespmem:s17], [sflag:$0x2] =	stream.indirect.gather [hbm4b:s4+s12], $0x20, s15, s12, $0xb8;
	[tilespmem:$0x16060] =	vst v63  }
0x5d: {  	s15 =	simm.s32 $0x738;
	s17 =	simm.s32 $0xD9A0  }
0x5e: {  	[tilespmem:s17], [sflag:$0x2] =	stream.indirect.gather [hbm4b:s4+s12], $0x20, s15, s12, $0xb8;
	[tilespmem:$0x16060] =	vst v63  }
0x5f: {  	s15 =	simm.s32 $0x770;
	s17 =	simm.s32 $0xDFE0  }
0x60: {  	[tilespmem:s17], [sflag:$0x2] =	stream.indirect.gather [hbm4b:s4+s12], $0x20, s15, s12, $0xb8;
	[tilespmem:$0x16060] =	vst v63  }
0x61: {  	s15 =	simm.s32 $0x7A8;
	s17 =	simm.s32 $0xE620  }
0x62: {  	[tilespmem:s17], [sflag:$0x2] =	stream.indirect.gather [hbm4b:s4+s12], $0x20, s15, s12, $0xb8;
	[tilespmem:$0x16060] =	vst v63  }
0x63: {  	s15 =	simm.s32 $0x7E0;
	s17 =	simm.s32 $0xEC60  }
0x64: {  	[tilespmem:s17], [sflag:$0x2] =	stream.indirect.gather [hbm4b:s4+s12], $0x20, s15, s12, $0xb8;
	[tilespmem:$0x16060] =	vst v63  }
0x65: {  	s15 =	simm.s32 $0x818;
	s17 =	simm.s32 $0xF2A0  }
0x66: {  	[tilespmem:s17], [sflag:$0x2] =	stream.indirect.gather [hbm4b:s4+s12], $0x20, s15, s12, $0xb8;
	[tilespmem:$0x16060] =	vst v63  }
0x67: {  	s15 =	simm.s32 $0x850;
	s17 =	simm.s32 $0xF8E0  }
0x68: {  	[tilespmem:s17], [sflag:$0x2] =	stream.indirect.gather [hbm4b:s4+s12], $0x20, s15, s12, $0xb8;
	[tilespmem:$0x16060] =	vst v63  }
0x69: {  	s15 =	simm.s32 $0x888;
	s17 =	simm.s32 $0xFF20  }
0x6a: {  	[tilespmem:s17], [sflag:$0x2] =	stream.indirect.gather [hbm4b:s4+s12], $0x20, s15, s12, $0xb8;
	[tilespmem:$0x16060] =	vst v63  }
0x6b: {  	s15 =	simm.s32 $0x8C0;
	s17 =	simm.s32 $0x10560  }
0x6c: {  	[tilespmem:s17], [sflag:$0x2] =	stream.indirect.gather [hbm4b:s4+s12], $0x20, s15, s12, $0xb8;
	[tilespmem:$0x16060] =	vst v63  }
0x6d: {  	s15 =	simm.s32 $0x8F8;
	s17 =	simm.s32 $0x10BA0  }
0x6e: {  	[tilespmem:s17], [sflag:$0x2] =	stream.indirect.gather [hbm4b:s4+s12], $0x20, s15, s12, $0xb8;
	[tilespmem:$0x16060] =	vst v63  }
0x6f: {  	s15 =	simm.s32 $0x930;
	s17 =	simm.s32 $0x111E0  }
0x70: {  	[tilespmem:s17], [sflag:$0x2] =	stream.indirect.gather [hbm4b:s4+s12], $0x20, s15, s12, $0xb8;
	[tilespmem:$0x16060] =	vst v63  }
0x71: {  	s15 =	simm.s32 $0x968;
	s17 =	simm.s32 $0x11820  }
0x72: {  	[tilespmem:s17], [sflag:$0x2] =	stream.indirect.gather [hbm4b:s4+s12], $0x20, s15, s12, $0xb8;
	[tilespmem:$0x16060] =	vst v63  }
0x73: {  	_ = 	snop  }
0x74: {  	[tilespmem:s18], [sflag:$0x2] =	stream.indirect.gather [hbm4b:s4+s12], $0x20, s29, s12, $0xb8;
	[tilespmem:$0x16060] =	vst v63  }
0x75: {  	_ = 	snop  }
0x76: {  	[tilespmem:s19], [sflag:$0x2] =	stream.indirect.gather [hbm4b:s4+s12], $0x20, s30, s12, $0xb8;
	[tilespmem:$0x16060] =	vst v63  }
0x77: {  	_ = 	snop  }
0x78: {  	[tilespmem:s20], [sflag:$0x2] =	stream.indirect.gather [hbm4b:s4+s12], $0x20, s31, s12, $0xb8;
	[tilespmem:$0x16060] =	vst v63  }
0x79: {  	_ = 	snop  }
0x7a: {  	[tilespmem:s21], [sflag:$0x2] =	stream.indirect.gather [hbm4b:s4+s12], $0x20, s0, s12, $0xb8;
	[tilespmem:$0x16060] =	vst v63  }
0x7b: {  	_ = 	snop  }
0x7c: {  	[tilespmem:s22], [sflag:$0x2] =	stream.indirect.gather [hbm4b:s4+s12], $0x20, s1, s12, $0xb8;
	[tilespmem:$0x16060] =	vst v63  }
0x7d: {  	s14 =	sshll.u32 s13, $0x1  }
0x7e: {  	[tilespmem:s23], [sflag:$0x2] =	stream.indirect.gather [hbm4b:s4+s12], $0x20, s6, s12, $0xb8;
	[tilespmem:$0x16060] =	vst v63  }
0x7f: {  	s17 =	smin.u32 s14, $0x7D  }
0x80: {  	[tilespmem:s24], [sflag:$0x2] =	stream.indirect.gather [hbm4b:s4+s12], $0x20, s9, s12, $0xb8;
	[tilespmem:$0x16060] =	vst v63  }
0x81: {  	s17 =	sadd.s32 s17, s7  }
0x82: {  	[tilespmem:s25], [sflag:$0x2] =	stream.indirect.gather [hbm4b:s4+s12], $0x20, s10, s12, $0xb8;
	[tilespmem:$0x16060] =	vst v63  }
0x83: {  	s17 =	smul.u32 $0xB6, s17;
	_ =	swait.ge [sflag:s5], $0xA280  }
0x84: {  	[sflag:s5] =	ssyncset.done $0x0  }
0x85: {  	s15 =	simm.s32 $0xC00;
	s17 =	sadd.s32 s3, s17;
	[sflag:s5] =	ssyncadd.s32 $0xFFFF5D80  }
0x86: {  	[tilespmem:s2], [sflag:$0x3] =	stream.linear.gather [hbm4b:s17+s2], $0x5B0, $0x38;
	[tilespmem:$0x16060] =	vst v63  }
0x87: {  	v0 =	vld [tilespmem:s15+$0xFFFFFF60]  }
0x88: {  	v1 =	vld [tilespmem:s15+$0xFFFFFF70]  }
0x89: {  	v2 =	vld [tilespmem:s15+$0xFFFFFF80]  }
0x8a: {  	v3 =	vld [tilespmem:s15+$0xFFFFFF90]  }
0x8b: {  	v4 =	vld [tilespmem:s15+$0xFFFFFFA0]  }
0x8c: {  	v6 =	vimm.f32 $0.0e+00;
	v5 =	vld [tilespmem:s15+$0xFFFFFFB0]  }
0x8d: {  	v7 =	vld [tilespmem:s15+$0xFFFFFFC0];
	v0 =	vadd.f32 v0, v6;
	v1 =	vadd.f32 v1, v6  }
0x8e: {  	v6 =	vld [tilespmem:s15+$0xFFFFFFD0]  }
0x8f: {  	v8 =	vld [tilespmem:s15+$0xFFFFFFE0];
	v0 =	vadd.f32 v2, v0;
	v1 =	vadd.f32 v3, v1  }
0x90: {  	v2 =	vld [tilespmem:s15+$0xFFFFFFF0]  }
0x91: {  	v9 =	vld [tilespmem:s15+$0x0];
	v0 =	vadd.f32 v4, v0;
	v1 =	vadd.f32 v5, v1  }
0x92: {  	v4 =	vld [tilespmem:s15+$0x10]  }
0x93: {  	v5 =	vld [tilespmem:s15+$0x20];
	v3 =	vadd.f32 v7, v0;
	v1 =	vadd.f32 v6, v1  }
0x94: {  	v7 =	vld [tilespmem:s15+$0x30]  }
0x95: {  	v0 =	vld [tilespmem:s15+$0x40];
	v6 =	vadd.f32 v8, v3;
	v2 =	vadd.f32 v2, v1  }
0x96: {  	v3 =	vld [tilespmem:s15+$0x50]  }
0x97: {  	v1 =	vld [tilespmem:s15+$0x60];
	v6 =	vadd.f32 v9, v6;
	v8 =	vadd.f32 v4, v2  }
0x98: {  	v4 =	vld [tilespmem:s15+$0x70]  }
0x99: {  	v2 =	vld [tilespmem:s15+$0x80];
	v6 =	vadd.f32 v5, v6;
	v7 =	vadd.f32 v7, v8  }
0x9a: {  	s28 =	simm.s32 $0x0;
	s17 =	simm.s32 $0xD40;
	v5 =	vld [tilespmem:s15+$0x90]  }
.LBB2_3:
0x9b: {  	v8 =	vld [tilespmem:s17+$0xFFFFFF60];
	v0 =	vadd.f32 v0, v6;
	v3 =	vadd.f32 v3, v7  }
0x9c: {  	s28 =	sadd.s32 $0xA, s28;
	v6 =	vld [tilespmem:s17+$0xFFFFFF70]  }
0x9d: {  	p0 =	slt.u32 s28, $0x50A;
	v7 =	vld [tilespmem:s17+$0xFFFFFF80];
	v0 =	vadd.f32 v1, v0;
	v1 =	vadd.f32 v4, v3  }
0x9e: {  	v3 =	vld [tilespmem:s17+$0xFFFFFF90]  }
0x9f: {  	v4 =	vld [tilespmem:s17+$0xFFFFFFA0];
	v0 =	vadd.f32 v2, v0;
	v1 =	vadd.f32 v5, v1  }
0xa0: {  	v2 =	vld [tilespmem:s17+$0xFFFFFFB0]  }
0xa1: {  	v0 =	vadd.f32 v8, v0;
	v1 =	vadd.f32 v6, v1;
	v5 =	vld [tilespmem:s17+$0xFFFFFFC0]  }
0xa2: {  	v6 =	vld [tilespmem:s17+$0xFFFFFFD0]  }
0xa3: {  	v0 =	vadd.f32 v7, v0;
	v1 =	vadd.f32 v3, v1;
	v3 =	vld [tilespmem:s17+$0xFFFFFFE0]  }
0xa4: {  	v7 =	vld [tilespmem:s17+$0xFFFFFFF0]  }
0xa5: {  	v0 =	vadd.f32 v4, v0;
	v1 =	vadd.f32 v2, v1;
	v2 =	vld [tilespmem:s17+$0x0]  }
0xa6: {  	v4 =	vld [tilespmem:s17+$0x10]  }
0xa7: {  	v0 =	vadd.f32 v5, v0;
	v1 =	vadd.f32 v6, v1;
	v5 =	vld [tilespmem:s17+$0x20]  }
0xa8: {  	v8 =	vld [tilespmem:s17+$0x30]  }
0xa9: {  	v6 =	vadd.f32 v3, v0;
	v1 =	vadd.f32 v7, v1;
	v0 =	vld [tilespmem:s17+$0x40]  }
.Ltmp0:
0xaa: {  	v3 =	vld [tilespmem:s17+$0x50];
	(pc) =	sbr.rel @p0 .LBB2_3-.Ltmp0, $4  }
0xab: {  	v2 =	vadd.f32 v2, v6;
	v7 =	vadd.f32 v4, v1;
	v1 =	vld [tilespmem:s17+$0x60]  }
0xac: {  	v4 =	vld [tilespmem:s17+$0x70]  }
0xad: {  	v6 =	vadd.f32 v5, v2;
	v7 =	vadd.f32 v8, v7;
	v2 =	vld [tilespmem:s17+$0x80]  }
0xae: {  	v5 =	vld [tilespmem:s17+$0x90];
	s17 =	sadd.s32 $0x140, s17  }
0xaf: {  	v0 =	vadd.f32 v0, v6  }
0xb0: {  	v3 =	vadd.f32 v3, v7  }
0xb1: {  	v0 =	vadd.f32 v1, v0  }
0xb2: {  	v1 =	vadd.f32 v4, v3  }
0xb3: {  	s17 =	sshll.u32 s13, $0x6;
	v0 =	vadd.f32 v2, v0  }
0xb4: {  	s28 =	sand.u32 $0x3FFFFFC0, s17;
	v1 =	vadd.f32 v5, v1  }
0xb5: {  	[tilespmem:s28+$0x15060] =	vst v0  }
0xb6: {  	[tilespmem:s28+$0x15070] =	vst v1  }
0xb7: {  	_ =	swait.ge [sflag:s11], $0x5B0  }
0xb8: {  	[sflag:s11] =	ssyncset.done $0x0  }
0xb9: {  	s15 =	simm.s32 $0xB60;
	[sflag:s11] =	ssyncadd.s32 $0xFFFFFA50  }
0xba: {  	[tilespmem:s15], [sflag:$0x1] =	stream.indirect.gather [hbm4b:s4+s12], $0x20, s2, s12, $0xb8;
	[tilespmem:$0x16060] =	vst v63  }
0xbb: {  	s17 =	simm.s32 $0x38;
	s15 =	simm.s32 $0x11A0  }
0xbc: {  	[tilespmem:s15], [sflag:$0x1] =	stream.indirect.gather [hbm4b:s4+s12], $0x20, s17, s12, $0xb8;
	[tilespmem:$0x16060] =	vst v63  }
0xbd: {  	s15 =	simm.s32 $0x70;
	s17 =	simm.s32 $0x17E0  }
0xbe: {  	[tilespmem:s17], [sflag:$0x1] =	stream.indirect.gather [hbm4b:s4+s12], $0x20, s15, s12, $0xb8;
	[tilespmem:$0x16060] =	vst v63  }
0xbf: {  	s15 =	simm.s32 $0xA8;
	s17 =	simm.s32 $0x1E20  }
0xc0: {  	[tilespmem:s17], [sflag:$0x1] =	stream.indirect.gather [hbm4b:s4+s12], $0x20, s15, s12, $0xb8;
	[tilespmem:$0x16060] =	vst v63  }
0xc1: {  	s15 =	simm.s32 $0xE0;
	s17 =	simm.s32 $0x2460  }
0xc2: {  	[tilespmem:s17], [sflag:$0x1] =	stream.indirect.gather [hbm4b:s4+s12], $0x20, s15, s12, $0xb8;
	[tilespmem:$0x16060] =	vst v63  }
0xc3: {  	s15 =	simm.s32 $0x118;
	s17 =	simm.s32 $0x2AA0  }
0xc4: {  	[tilespmem:s17], [sflag:$0x1] =	stream.indirect.gather [hbm4b:s4+s12], $0x20, s15, s12, $0xb8;
	[tilespmem:$0x16060] =	vst v63  }
0xc5: {  	s15 =	simm.s32 $0x150;
	s17 =	simm.s32 $0x30E0  }
0xc6: {  	[tilespmem:s17], [sflag:$0x1] =	stream.indirect.gather [hbm4b:s4+s12], $0x20, s15, s12, $0xb8;
	[tilespmem:$0x16060] =	vst v63  }
0xc7: {  	s15 =	simm.s32 $0x188;
	s17 =	simm.s32 $0x3720  }
0xc8: {  	[tilespmem:s17], [sflag:$0x1] =	stream.indirect.gather [hbm4b:s4+s12], $0x20, s15, s12, $0xb8;
	[tilespmem:$0x16060] =	vst v63  }
0xc9: {  	s15 =	simm.s32 $0x1C0;
	s17 =	simm.s32 $0x3D60  }
0xca: {  	[tilespmem:s17], [sflag:$0x1] =	stream.indirect.gather [hbm4b:s4+s12], $0x20, s15, s12, $0xb8;
	[tilespmem:$0x16060] =	vst v63  }
0xcb: {  	s15 =	simm.s32 $0x1F8;
	s17 =	simm.s32 $0x43A0  }
0xcc: {  	[tilespmem:s17], [sflag:$0x1] =	stream.indirect.gather [hbm4b:s4+s12], $0x20, s15, s12, $0xb8;
	[tilespmem:$0x16060] =	vst v63  }
0xcd: {  	s15 =	simm.s32 $0x230;
	s17 =	simm.s32 $0x49E0  }
0xce: {  	[tilespmem:s17], [sflag:$0x1] =	stream.indirect.gather [hbm4b:s4+s12], $0x20, s15, s12, $0xb8;
	[tilespmem:$0x16060] =	vst v63  }
0xcf: {  	s15 =	simm.s32 $0x268;
	s17 =	simm.s32 $0x5020  }
0xd0: {  	[tilespmem:s17], [sflag:$0x1] =	stream.indirect.gather [hbm4b:s4+s12], $0x20, s15, s12, $0xb8;
	[tilespmem:$0x16060] =	vst v63  }
0xd1: {  	s15 =	simm.s32 $0x2A0;
	s17 =	simm.s32 $0x5660  }
0xd2: {  	[tilespmem:s17], [sflag:$0x1] =	stream.indirect.gather [hbm4b:s4+s12], $0x20, s15, s12, $0xb8;
	[tilespmem:$0x16060] =	vst v63  }
0xd3: {  	s15 =	simm.s32 $0x2D8;
	s17 =	simm.s32 $0x5CA0  }
0xd4: {  	[tilespmem:s17], [sflag:$0x1] =	stream.indirect.gather [hbm4b:s4+s12], $0x20, s15, s12, $0xb8;
	[tilespmem:$0x16060] =	vst v63  }
0xd5: {  	s15 =	simm.s32 $0x310;
	s17 =	simm.s32 $0x62E0  }
0xd6: {  	[tilespmem:s17], [sflag:$0x1] =	stream.indirect.gather [hbm4b:s4+s12], $0x20, s15, s12, $0xb8;
	[tilespmem:$0x16060] =	vst v63  }
0xd7: {  	s15 =	simm.s32 $0x348;
	s17 =	simm.s32 $0x6920  }
0xd8: {  	[tilespmem:s17], [sflag:$0x1] =	stream.indirect.gather [hbm4b:s4+s12], $0x20, s15, s12, $0xb8;
	[tilespmem:$0x16060] =	vst v63  }
0xd9: {  	s15 =	simm.s32 $0x380;
	s17 =	simm.s32 $0x6F60  }
0xda: {  	[tilespmem:s17], [sflag:$0x1] =	stream.indirect.gather [hbm4b:s4+s12], $0x20, s15, s12, $0xb8;
	[tilespmem:$0x16060] =	vst v63  }
0xdb: {  	s15 =	simm.s32 $0x3B8;
	s17 =	simm.s32 $0x75A0  }
0xdc: {  	[tilespmem:s17], [sflag:$0x1] =	stream.indirect.gather [hbm4b:s4+s12], $0x20, s15, s12, $0xb8;
	[tilespmem:$0x16060] =	vst v63  }
0xdd: {  	s15 =	simm.s32 $0x3F0;
	s17 =	simm.s32 $0x7BE0  }
0xde: {  	[tilespmem:s17], [sflag:$0x1] =	stream.indirect.gather [hbm4b:s4+s12], $0x20, s15, s12, $0xb8;
	[tilespmem:$0x16060] =	vst v63  }
0xdf: {  	s15 =	simm.s32 $0x428;
	s17 =	simm.s32 $0x8220  }
0xe0: {  	[tilespmem:s17], [sflag:$0x1] =	stream.indirect.gather [hbm4b:s4+s12], $0x20, s15, s12, $0xb8;
	[tilespmem:$0x16060] =	vst v63  }
0xe1: {  	s15 =	simm.s32 $0x460;
	s17 =	simm.s32 $0x8860  }
0xe2: {  	[tilespmem:s17], [sflag:$0x1] =	stream.indirect.gather [hbm4b:s4+s12], $0x20, s15, s12, $0xb8;
	[tilespmem:$0x16060] =	vst v63  }
0xe3: {  	s15 =	simm.s32 $0x498;
	s17 =	simm.s32 $0x8EA0  }
0xe4: {  	[tilespmem:s17], [sflag:$0x1] =	stream.indirect.gather [hbm4b:s4+s12], $0x20, s15, s12, $0xb8;
	[tilespmem:$0x16060] =	vst v63  }
0xe5: {  	s15 =	simm.s32 $0x4D0;
	s17 =	simm.s32 $0x94E0  }
0xe6: {  	[tilespmem:s17], [sflag:$0x1] =	stream.indirect.gather [hbm4b:s4+s12], $0x20, s15, s12, $0xb8;
	[tilespmem:$0x16060] =	vst v63  }
0xe7: {  	s15 =	simm.s32 $0x508;
	s17 =	simm.s32 $0x9B20  }
0xe8: {  	[tilespmem:s17], [sflag:$0x1] =	stream.indirect.gather [hbm4b:s4+s12], $0x20, s15, s12, $0xb8;
	[tilespmem:$0x16060] =	vst v63  }
0xe9: {  	s14 =	smin.u32 s14, $0x7C;
	s15 =	simm.s32 $0x540;
	s17 =	simm.s32 $0xA160  }
0xea: {  	[tilespmem:s17], [sflag:$0x1] =	stream.indirect.gather [hbm4b:s4+s12], $0x20, s15, s12, $0xb8;
	[tilespmem:$0x16060] =	vst v63  }
0xeb: {  	s14 =	sadd.s32 s14, s8;
	s15 =	simm.s32 $0x578;
	s17 =	simm.s32 $0xA7A0  }
0xec: {  	[tilespmem:s17], [sflag:$0x1] =	stream.indirect.gather [hbm4b:s4+s12], $0x20, s15, s12, $0xb8;
	[tilespmem:$0x16060] =	vst v63  }
0xed: {  	s14 =	smul.u32 $0xB6, s14;
	_ =	swait.ge [sflag:s26], $0xA280  }
0xee: {  	[sflag:s26] =	ssyncset.done $0x0  }
0xef: {  	s14 =	sadd.s32 s3, s14;
	s15 =	simm.s32 $0xAE80;
	[sflag:s26] =	ssyncadd.s32 $0xFFFF5D80  }
0xf0: {  	[tilespmem:s16], [sflag:$0x3] =	stream.linear.gather [hbm4b:s14+s2], $0x5B0, $0x38;
	[tilespmem:$0x16060] =	vst v63  }
0xf1: {  	v0 =	vld [tilespmem:s15+$0xFFFFFF60]  }
0xf2: {  	v1 =	vld [tilespmem:s15+$0xFFFFFF70]  }
0xf3: {  	v2 =	vld [tilespmem:s15+$0xFFFFFF80]  }
0xf4: {  	v3 =	vld [tilespmem:s15+$0xFFFFFF90]  }
0xf5: {  	v4 =	vld [tilespmem:s15+$0xFFFFFFA0]  }
0xf6: {  	v6 =	vimm.f32 $0.0e+00;
	v5 =	vld [tilespmem:s15+$0xFFFFFFB0]  }
0xf7: {  	v7 =	vld [tilespmem:s15+$0xFFFFFFC0];
	v0 =	vadd.f32 v0, v6;
	v1 =	vadd.f32 v1, v6  }
0xf8: {  	v6 =	vld [tilespmem:s15+$0xFFFFFFD0]  }
0xf9: {  	v8 =	vld [tilespmem:s15+$0xFFFFFFE0];
	v0 =	vadd.f32 v2, v0;
	v1 =	vadd.f32 v3, v1  }
0xfa: {  	v2 =	vld [tilespmem:s15+$0xFFFFFFF0]  }
0xfb: {  	v9 =	vld [tilespmem:s15+$0x0];
	v0 =	vadd.f32 v4, v0;
	v1 =	vadd.f32 v5, v1  }
0xfc: {  	v4 =	vld [tilespmem:s15+$0x10]  }
0xfd: {  	v5 =	vld [tilespmem:s15+$0x20];
	v3 =	vadd.f32 v7, v0;
	v1 =	vadd.f32 v6, v1  }
0xfe: {  	v7 =	vld [tilespmem:s15+$0x30]  }
0xff: {  	v0 =	vld [tilespmem:s15+$0x40];
	v6 =	vadd.f32 v8, v3;
	v2 =	vadd.f32 v2, v1  }
0x100: {  	v3 =	vld [tilespmem:s15+$0x50]  }
0x101: {  	v1 =	vld [tilespmem:s15+$0x60];
	v6 =	vadd.f32 v9, v6;
	v8 =	vadd.f32 v4, v2  }
0x102: {  	v4 =	vld [tilespmem:s15+$0x70]  }
0x103: {  	v2 =	vld [tilespmem:s15+$0x80];
	v6 =	vadd.f32 v5, v6;
	v7 =	vadd.f32 v7, v8  }
0x104: {  	s17 =	simm.s32 $0xAFC0;
	s14 =	simm.s32 $0x0;
	v5 =	vld [tilespmem:s15+$0x90]  }
.LBB2_5:
0x105: {  	v8 =	vld [tilespmem:s17+$0xFFFFFF60];
	v0 =	vadd.f32 v0, v6;
	v3 =	vadd.f32 v3, v7  }
0x106: {  	s14 =	sadd.s32 $0xA, s14;
	v6 =	vld [tilespmem:s17+$0xFFFFFF70]  }
0x107: {  	p0 =	slt.u32 s14, $0x50A;
	v7 =	vld [tilespmem:s17+$0xFFFFFF80];
	v0 =	vadd.f32 v1, v0;
	v1 =	vadd.f32 v4, v3  }
0x108: {  	v3 =	vld [tilespmem:s17+$0xFFFFFF90]  }
0x109: {  	v4 =	vld [tilespmem:s17+$0xFFFFFFA0];
	v0 =	vadd.f32 v2, v0;
	v1 =	vadd.f32 v5, v1  }
0x10a: {  	v2 =	vld [tilespmem:s17+$0xFFFFFFB0]  }
0x10b: {  	v0 =	vadd.f32 v8, v0;
	v1 =	vadd.f32 v6, v1;
	v5 =	vld [tilespmem:s17+$0xFFFFFFC0]  }
0x10c: {  	v6 =	vld [tilespmem:s17+$0xFFFFFFD0]  }
0x10d: {  	v0 =	vadd.f32 v7, v0;
	v1 =	vadd.f32 v3, v1;
	v3 =	vld [tilespmem:s17+$0xFFFFFFE0]  }
0x10e: {  	v7 =	vld [tilespmem:s17+$0xFFFFFFF0]  }
0x10f: {  	v0 =	vadd.f32 v4, v0;
	v1 =	vadd.f32 v2, v1;
	v2 =	vld [tilespmem:s17+$0x0]  }
0x110: {  	v4 =	vld [tilespmem:s17+$0x10]  }
0x111: {  	v0 =	vadd.f32 v5, v0;
	v1 =	vadd.f32 v6, v1;
	v5 =	vld [tilespmem:s17+$0x20]  }
0x112: {  	v8 =	vld [tilespmem:s17+$0x30]  }
0x113: {  	v6 =	vadd.f32 v3, v0;
	v1 =	vadd.f32 v7, v1;
	v0 =	vld [tilespmem:s17+$0x40]  }
.Ltmp1:
0x114: {  	v3 =	vld [tilespmem:s17+$0x50];
	(pc) =	sbr.rel @p0 .LBB2_5-.Ltmp1, $4  }
0x115: {  	v2 =	vadd.f32 v2, v6;
	v7 =	vadd.f32 v4, v1;
	v1 =	vld [tilespmem:s17+$0x60]  }
0x116: {  	v4 =	vld [tilespmem:s17+$0x70]  }
0x117: {  	v6 =	vadd.f32 v5, v2;
	v7 =	vadd.f32 v8, v7;
	v2 =	vld [tilespmem:s17+$0x80]  }
0x118: {  	v5 =	vld [tilespmem:s17+$0x90];
	s17 =	sadd.s32 $0x140, s17  }
0x119: {  	v0 =	vadd.f32 v0, v6  }
0x11a: {  	v3 =	vadd.f32 v3, v7;
	s13 =	sadd.s32 $0x1, s13  }
0x11b: {  	p0 =	sne.s32 s13, $0x40;
	v0 =	vadd.f32 v1, v0  }
.Ltmp2:
0x11c: {  	v63 =	vadd.f32 v4, v3;
	(pc) =	sbr.rel @p0 .LBB2_2-.Ltmp2, $4  }
0x11d: {  	v0 =	vadd.f32 v2, v0  }
0x11e: {  	v1 =	vadd.f32 v5, v63  }
0x11f: {  	[tilespmem:s28+$0x15080] =	vst v0  }
0x120: {  	[tilespmem:s28+$0x15090] =	vst v1  }
0x121: {  	_ =	swait.ge [sflag:s11], $0x5B0  }
0x122: {  	[sflag:s11] =	ssyncset.done $0x0  }
0x123: {  	[sflag:s11] =	ssyncadd.s32 $0xFFFFFA50  }
0x124: {  	_ =	swait.ge [sflag:s5], $0xA280  }
0x125: {  	s14 =	simm.s32 $0x15060;
	[sflag:s5] =	ssyncset.done $0x0  }
0x126: {  	s17 =	simm.s32 $0x4;
	s13 =	rddreg [dreg:$0x4];
	[sflag:s5] =	ssyncadd.s32 $0xFFFF5D80  }
0x127: {  	[hbm4b:s13+s2] =	stream.linear.scatter [tilespmem:s14], [sflag:$0x4], $0x1000, $0x38;
	[tilespmem:$0x16060] =	vst v63  }
0x128: {  	_ =	swait.ge [sflag:s17], $0x1000  }
0x129: {  	s15 =	rddreg [dreg:$0x6]  }
0x12a: {  	s28 =	rddreg [dreg:$0x5];
	s15 =	sadd.s32 $0x1, s15  }
0x12b: {  	p0 =	sne.s32 s15, s28  }
.Ltmp3:
0x12c: {  	_ = 	snop;
	(pc) =	sbr.rel @p0 .LBB2_1-.Ltmp3, $3  }
0x12d: {  	_ =	sdelay $0x1  }
0x12e: {  	[sflag:s17] =	ssyncset.done $0x0  }
0x12f: {  	[sflag:s17] =	ssyncadd.s32 $0xFFFFF000  }
0x130: {  	_ =	sfence.sel $0x180000  }
0x131: {  	[bflag:$0x0] =	sbarrier.arrive $0xFFFF  }
0x132: {  	_ =	strace $0x90000047  }
0x133: {  	s0 =	stileid.u32;
	[bflag:$0x2] =	sbarrier.arrive $0xFFFF  }
0x134: {  	p0 =	sne.s32 s0, $0x0;
	s0 =	rddreg [dreg:$0x1]  }
0x135: {  	s0 =	sadd.s32 @!p0 $0x100000, s0  }
0x136: {  	[sflag:s0] =	ssyncadd.tile.s32 @!p0 $0x1;
	_ =	shalt  }
.Lfunc_end2:
_tile_overlayer_lowered:
.L_overlay_start_2:
0x137: {  	(tag) =	ssettag $0x2  }
0x138: {  	s0 =	rddreg [dreg:$0x0];
	s2 =	stileid.u32  }
0x139: {  	s1 =	rddreg [dreg:$0x1];
	p0 =	sne.s32 s2, $0x0  }
0x13a: {  	s3 =	rddreg [dreg:$0x2];
	[bflag:$0x3] =	sbarrier.arrive $0xFFFF;
	s2 =	simm.s32 @!p0 $0x1C04  }
0x13b: {  	[timem:s3], [sflag:s2] =	dma.local @!p0 [hbm:s0], s1  }
0x13c: {  	s0 =	simm.s32 @!p0 $0x4  }
0x13d: {  	_ =	swait.ge @!p0 [sflag:s0], s1  }
0x13e: {  	s1 =	ssub.s32 @!p0 $0x0, s1;
	[sflag:s0] =	ssyncset.done @!p0 $0x0  }
0x13f: {  	[sflag:s0] =	ssyncadd.s32 @!p0 s1  }
0x140: {  	[bflag:$0x3] =	sbarrier.arrive $0xFFFF  }
0x141: {  	_ =	shalt  }

</sc_bundles>
